<compile_context>
chip_gen: v7x
topology: tpu7x:2x2x1
jax: 0.10.2.dev20260603
libtpu: 0.0.44.dev20260713+nightly
codegen_flags: <defaults>
</compile_context>

<pallas_src>
import functools

import jax
import jax.numpy as jnp
from jax import lax
from jax.experimental import pallas as pl
from jax.experimental.pallas import tpu as pltpu
from jax.experimental.pallas import tpu_sc as plsc

D = 64
DP = 128
NC = 2
NS = 16
NW = NC * NS
B = 4096 * 200
ROWS_PER_W = B // NW
IDXW = 128
IDX_ROWS_PER_W = ROWS_PER_W // IDXW
CHUNK_IDX_ROWS = 5
CHUNK = CHUNK_IDX_ROWS * IDXW
N_CHUNKS = ROWS_PER_W // CHUNK
GROUPS = CHUNK // 16


def _emb_body(table_hbm, idx_hbm, out_hbm, idx_v, rows_a, rows_b,
              gsem_a, gsem_b, wsem_a, wsem_b):
    wid = lax.axis_index("s") * NC + lax.axis_index("c")
    pltpu.sync_copy(idx_hbm.at[wid], idx_v)
    base_w = wid * ROWS_PER_W

    def gather_copies(c, buf, sem):
        return [
            pltpu.make_async_copy(
                table_hbm.at[idx_v.at[c * CHUNK_IDX_ROWS + j]],
                buf.at[pl.ds(j * IDXW, IDXW)],
                sem,
            )
            for j in range(CHUNK_IDX_ROWS)
        ]

    def wb_copy(c, buf, sem):
        return pltpu.make_async_copy(
            buf,
            out_hbm.at[pl.ds(base_w + c * CHUNK, CHUNK), pl.ds(0, D)],
            sem,
        )

    def fixup(c, buf):
        def group_body(g, carry2):
            row = c * CHUNK_IDX_ROWS + g // (IDXW // 16)
            off = (g % (IDXW // 16)) * 16
            v = idx_v[row, pl.ds(off, 16)]
            m = v == 0
            nz = jnp.max(m.astype(jnp.int32))

            @pl.when(nz > 0)
            def _():
                rows0 = g * 16 + lax.iota(jnp.int32, 16)
                zeros = jnp.zeros((16,), jnp.float32)

                def col_body(col, carry3):
                    cols = jnp.full((16,), col, jnp.int32)
                    plsc.store_scatter(buf, [rows0, cols], zeros, mask=m)
                    return carry3

                lax.fori_loop(0, D, col_body, 0)

            return carry2

        lax.fori_loop(0, GROUPS, group_body, 0)

    for cp in gather_copies(0, rows_a, gsem_a):
        cp.start()

    def pair_body(i2, carry):
        c0 = 2 * i2
        c1 = c0 + 1

        for cp in gather_copies(c0, rows_a, gsem_a):
            cp.wait()

        @pl.when(i2 > 0)
        def _():
            wb_copy(c1 - 2, rows_b, wsem_b).wait()

        for cp in gather_copies(c1, rows_b, gsem_b):
            cp.start()

        fixup(c0, rows_a)
        wb_copy(c0, rows_a, wsem_a).start()

        for cp in gather_copies(c1, rows_b, gsem_b):
            cp.wait()

        @pl.when(i2 + 1 < N_CHUNKS // 2)
        def _():
            wb_copy(c0, rows_a, wsem_a).wait()
            for cp in gather_copies(c0 + 2, rows_a, gsem_a):
                cp.start()

        fixup(c1, rows_b)
        wb_copy(c1, rows_b, wsem_b).start()
        return carry

    lax.fori_loop(0, N_CHUNKS // 2, pair_body, 0)

    wb_copy(N_CHUNKS - 2, rows_a, wsem_a).wait()
    wb_copy(N_CHUNKS - 1, rows_b, wsem_b).wait()


_emb = functools.partial(
    pl.kernel,
    mesh=plsc.VectorSubcoreMesh(
        core_axis_name="c", subcore_axis_name="s", num_cores=NC
    ),
    compiler_params=pltpu.CompilerParams(
        use_tc_tiling_on_sc=False, needs_layout_passes=False
    ),
    out_type=jax.ShapeDtypeStruct((B, DP), jnp.float32),
    scratch_types=[
        pltpu.VMEM((IDX_ROWS_PER_W, IDXW), jnp.int32),
        pltpu.VMEM((CHUNK, D), jnp.float32),
        pltpu.VMEM((CHUNK, D), jnp.float32),
        pltpu.SemaphoreType.DMA,
        pltpu.SemaphoreType.DMA,
        pltpu.SemaphoreType.DMA,
        pltpu.SemaphoreType.DMA,
    ],
)(_emb_body)


def kernel(input_batch, table):
    bsz, seq = input_batch.shape
    tbl = jnp.pad(table, ((0, 0), (0, DP - D))).reshape(2 * 1000000, D)
    idx = input_batch.reshape(-1).astype(jnp.int32) * 2
    idx = idx.reshape(NW, IDX_ROWS_PER_W, IDXW)
    out = _emb(tbl, idx)
    return out.reshape(bsz, seq, DP)[:, :, :D]

# --- scband reference (transcript-rebuilt; emitter-appended) ---
"""Pipeline reference for scband-embedding-66786741452849 (READ-ONLY COPY).

The authoritative reference and input builder live on the scoring server;
editing this copy changes nothing except your own understanding.
"""

import jax, jax.numpy as jnp
import numpy as np

VOCAB = 1000000
D_MODEL = 64
PAD_IDX = 0

def setup_inputs(seed: int = 0) -> dict:
    key = jax.random.key(seed)
    k1, k2 = jax.random.split(key)
    input_batch = jax.random.randint(k1, (4096, 200), 0, VOCAB, dtype=jnp.int64)
    table = jax.random.normal(k2, (VOCAB, D_MODEL), dtype=jnp.float32)
    return {"input_batch": input_batch, "table": table}

def reference(input_batch, table):
    # nn.Embedding with padding_idx: the pad row embeds to zeros
    tbl = table.at[PAD_IDX].set(0.0)
    return jnp.take(tbl, input_batch, axis=0)

if __name__ == "__main__":
    import jax
    _d = setup_inputs()
    print(jax.jit(kernel)(*tuple(_d.values())))

</pallas_src>

<mosaic_0001>
#map = affine_map<(d0, d1) -> (0, 0)>
#map1 = affine_map<(d0, d1) -> (0, 0, 0)>
module attributes {stable_mosaic.version = 14 : i64} {
  func.func @_emb_body(%arg0: i32, %arg1: i32, %arg2: memref<2000000x64xf32, #tpu.memory_space<hbm>>, %arg3: memref<32x200x128xi32, #tpu.memory_space<hbm>>, %arg4: memref<819200x128xf32, #tpu.memory_space<hbm>>, %arg5: memref<200x128xi32, #tpu.memory_space<vmem>>, %arg6: memref<640x64xf32, #tpu.memory_space<vmem>>, %arg7: memref<640x64xf32, #tpu.memory_space<vmem>>, %arg8: memref<!tpu.dma_semaphore, #tpu.memory_space<semaphore_mem>>, %arg9: memref<!tpu.dma_semaphore, #tpu.memory_space<semaphore_mem>>, %arg10: memref<!tpu.dma_semaphore, #tpu.memory_space<semaphore_mem>>, %arg11: memref<!tpu.dma_semaphore, #tpu.memory_space<semaphore_mem>>) attributes {dimension_semantics = [#tpu.dimension_semantics<core_parallel>, #tpu.dimension_semantics<subcore_parallel>], iteration_bounds = array<i64: 2, 16>, scalar_prefetch = 0 : i64, scratch_operands = 7 : i64, tpu.core_type = #tpu.core_type<sc_vector_subcore>, window_params = [{transform_indices = #map}, {transform_indices = #map1}, {transform_indices = #map}]} {
    %mul3A = arith.constant 2 : i32
    %mul3A_0 = arith.muli %arg1, %mul3A : i32
    %add3A = arith.addi %mul3A_0, %arg0 : i32
    "tpu.region"() ({
      %run_scoped3A = tpu.sem_alloc : memref<!tpu.dma_semaphore, #tpu.memory_space<semaphore_mem>>
      %dma_start3A_68 = arith.constant 0 : i32
      %dma_start3A_69 = arith.constant 0 : i32
      %dma_start3A_70 = tpu.memref_slice %arg3[%add3A, %dma_start3A_68, %dma_start3A_69] : memref<32x200x128xi32, #tpu.memory_space<hbm>> -> memref<1x200x128xi32, #tpu.memory_space<hbm>>
      %dma_start3A_71 = tpu.memref_squeeze %dma_start3A_70 : memref<1x200x128xi32, #tpu.memory_space<hbm>> -> memref<200x128xi32, #tpu.memory_space<hbm>>
      %dma_start3A_72 = arith.constant 0 : i32
      %dma_start3A_73 = arith.constant 0 : i32
      %dma_start3A_74 = tpu.memref_slice %arg3[%add3A, %dma_start3A_72, %dma_start3A_73] : memref<32x200x128xi32, #tpu.memory_space<hbm>> -> memref<1x200x128xi32, #tpu.memory_space<hbm>>
      %dma_start3A_75 = tpu.memref_squeeze %dma_start3A_74 : memref<1x200x128xi32, #tpu.memory_space<hbm>> -> memref<200x128xi32, #tpu.memory_space<hbm>>
      tpu.enqueue_dma source(%dma_start3A_75 : memref<200x128xi32, #tpu.memory_space<hbm>>) target(%arg5 : memref<200x128xi32, #tpu.memory_space<vmem>>) target_semaphore(%run_scoped3A : memref<!tpu.dma_semaphore, #tpu.memory_space<semaphore_mem>>)
      %dma_wait3A_76 = arith.constant 0 : i32
      %dma_wait3A_77 = arith.constant 0 : i32
      %dma_wait3A_78 = tpu.memref_slice %arg3[%add3A, %dma_wait3A_76, %dma_wait3A_77] : memref<32x200x128xi32, #tpu.memory_space<hbm>> -> memref<1x200x128xi32, #tpu.memory_space<hbm>>
      %dma_wait3A_79 = tpu.memref_squeeze %dma_wait3A_78 : memref<1x200x128xi32, #tpu.memory_space<hbm>> -> memref<200x128xi32, #tpu.memory_space<hbm>>
      %dma_wait3A_80 = arith.constant 0 : i32
      %dma_wait3A_81 = arith.constant 0 : i32
      %dma_wait3A_82 = tpu.memref_slice %arg3[%add3A, %dma_wait3A_80, %dma_wait3A_81] : memref<32x200x128xi32, #tpu.memory_space<hbm>> -> memref<1x200x128xi32, #tpu.memory_space<hbm>>
      %dma_wait3A_83 = tpu.memref_squeeze %dma_wait3A_82 : memref<1x200x128xi32, #tpu.memory_space<hbm>> -> memref<200x128xi32, #tpu.memory_space<hbm>>
      tpu.wait_dma2 semaphore(%run_scoped3A : memref<!tpu.dma_semaphore, #tpu.memory_space<semaphore_mem>>) src(%dma_wait3A_83 : memref<200x128xi32, #tpu.memory_space<hbm>>) dst(%arg5 : memref<200x128xi32, #tpu.memory_space<vmem>>)
      tpu.yield
    }) : () -> ()
    %mul3A_1 = arith.constant 25600 : i32
    %mul3A_2 = arith.muli %add3A, %mul3A_1 : i32
    %dma_start3A = arith.constant 0 : i32
    %dma_start3A_3 = arith.constant 0 : i32
    %dma_start3A_4 = arith.constant 0 : i32
    %dma_start3A_5 = tpu.memref_slice %arg6[%dma_start3A_3, %dma_start3A_4] : memref<640x64xf32, #tpu.memory_space<vmem>> -> memref<128x64xf32, #tpu.memory_space<vmem>>
    %dma_start3A_6 = arith.constant 0 : i32
    %dma_start3A_7 = tpu.memref_slice %arg5[%dma_start3A, %dma_start3A_6] : memref<200x128xi32, #tpu.memory_space<vmem>> -> memref<1x128xi32, #tpu.memory_space<vmem>>
    %dma_start3A_8 = tpu.memref_squeeze %dma_start3A_7 : memref<1x128xi32, #tpu.memory_space<vmem>> -> memref<128xi32, #tpu.memory_space<vmem>>
    %dma_start3A_9 = arith.constant 0 : i32
    %dma_start3A_10 = arith.constant 0 : i32
    %dma_start3A_11 = tpu.memref_slice %arg2[%dma_start3A_9, %dma_start3A_10] : memref<2000000x64xf32, #tpu.memory_space<hbm>> -> memref<2000000x64xf32, #tpu.memory_space<hbm>>
    tpu.enqueue_indirect_dma source(%dma_start3A_11 : memref<2000000x64xf32, #tpu.memory_space<hbm>>) target(%dma_start3A_5 : memref<128x64xf32, #tpu.memory_space<vmem>>) offsets(%dma_start3A_8 : memref<128xi32, #tpu.memory_space<vmem>>) semaphore(%arg8 : memref<!tpu.dma_semaphore, #tpu.memory_space<semaphore_mem>>)
    %dma_start3A_12 = arith.constant 1 : i32
    %dma_start3A_13 = arith.constant 128 : i32
    %dma_start3A_14 = arith.constant 0 : i32
    %dma_start3A_15 = tpu.memref_slice %arg6[%dma_start3A_13, %dma_start3A_14] : memref<640x64xf32, #tpu.memory_space<vmem>> -> memref<128x64xf32, #tpu.memory_space<vmem>>
    %dma_start3A_16 = arith.constant 0 : i32
    %dma_start3A_17 = tpu.memref_slice %arg5[%dma_start3A_12, %dma_start3A_16] : memref<200x128xi32, #tpu.memory_space<vmem>> -> memref<1x128xi32, #tpu.memory_space<vmem>>
    %dma_start3A_18 = tpu.memref_squeeze %dma_start3A_17 : memref<1x128xi32, #tpu.memory_space<vmem>> -> memref<128xi32, #tpu.memory_space<vmem>>
    %dma_start3A_19 = arith.constant 0 : i32
    %dma_start3A_20 = arith.constant 0 : i32
    %dma_start3A_21 = tpu.memref_slice %arg2[%dma_start3A_19, %dma_start3A_20] : memref<2000000x64xf32, #tpu.memory_space<hbm>> -> memref<2000000x64xf32, #tpu.memory_space<hbm>>
    tpu.enqueue_indirect_dma source(%dma_start3A_21 : memref<2000000x64xf32, #tpu.memory_space<hbm>>) target(%dma_start3A_15 : memref<128x64xf32, #tpu.memory_space<vmem>>) offsets(%dma_start3A_18 : memref<128xi32, #tpu.memory_space<vmem>>) semaphore(%arg8 : memref<!tpu.dma_semaphore, #tpu.memory_space<semaphore_mem>>)
    %dma_start3A_22 = arith.constant 2 : i32
    %dma_start3A_23 = arith.constant 256 : i32
    %dma_start3A_24 = arith.constant 0 : i32
    %dma_start3A_25 = tpu.memref_slice %arg6[%dma_start3A_23, %dma_start3A_24] : memref<640x64xf32, #tpu.memory_space<vmem>> -> memref<128x64xf32, #tpu.memory_space<vmem>>
    %dma_start3A_26 = arith.constant 0 : i32
    %dma_start3A_27 = tpu.memref_slice %arg5[%dma_start3A_22, %dma_start3A_26] : memref<200x128xi32, #tpu.memory_space<vmem>> -> memref<1x128xi32, #tpu.memory_space<vmem>>
    %dma_start3A_28 = tpu.memref_squeeze %dma_start3A_27 : memref<1x128xi32, #tpu.memory_space<vmem>> -> memref<128xi32, #tpu.memory_space<vmem>>
    %dma_start3A_29 = arith.constant 0 : i32
    %dma_start3A_30 = arith.constant 0 : i32
    %dma_start3A_31 = tpu.memref_slice %arg2[%dma_start3A_29, %dma_start3A_30] : memref<2000000x64xf32, #tpu.memory_space<hbm>> -> memref<2000000x64xf32, #tpu.memory_space<hbm>>
    tpu.enqueue_indirect_dma source(%dma_start3A_31 : memref<2000000x64xf32, #tpu.memory_space<hbm>>) target(%dma_start3A_25 : memref<128x64xf32, #tpu.memory_space<vmem>>) offsets(%dma_start3A_28 : memref<128xi32, #tpu.memory_space<vmem>>) semaphore(%arg8 : memref<!tpu.dma_semaphore, #tpu.memory_space<semaphore_mem>>)
    %dma_start3A_32 = arith.constant 3 : i32
    %dma_start3A_33 = arith.constant 384 : i32
    %dma_start3A_34 = arith.constant 0 : i32
    %dma_start3A_35 = tpu.memref_slice %arg6[%dma_start3A_33, %dma_start3A_34] : memref<640x64xf32, #tpu.memory_space<vmem>> -> memref<128x64xf32, #tpu.memory_space<vmem>>
    %dma_start3A_36 = arith.constant 0 : i32
    %dma_start3A_37 = tpu.memref_slice %arg5[%dma_start3A_32, %dma_start3A_36] : memref<200x128xi32, #tpu.memory_space<vmem>> -> memref<1x128xi32, #tpu.memory_space<vmem>>
    %dma_start3A_38 = tpu.memref_squeeze %dma_start3A_37 : memref<1x128xi32, #tpu.memory_space<vmem>> -> memref<128xi32, #tpu.memory_space<vmem>>
    %dma_start3A_39 = arith.constant 0 : i32
    %dma_start3A_40 = arith.constant 0 : i32
    %dma_start3A_41 = tpu.memref_slice %arg2[%dma_start3A_39, %dma_start3A_40] : memref<2000000x64xf32, #tpu.memory_space<hbm>> -> memref<2000000x64xf32, #tpu.memory_space<hbm>>
    tpu.enqueue_indirect_dma source(%dma_start3A_41 : memref<2000000x64xf32, #tpu.memory_space<hbm>>) target(%dma_start3A_35 : memref<128x64xf32, #tpu.memory_space<vmem>>) offsets(%dma_start3A_38 : memref<128xi32, #tpu.memory_space<vmem>>) semaphore(%arg8 : memref<!tpu.dma_semaphore, #tpu.memory_space<semaphore_mem>>)
    %dma_start3A_42 = arith.constant 4 : i32
    %dma_start3A_43 = arith.constant 512 : i32
    %dma_start3A_44 = arith.constant 0 : i32
    %dma_start3A_45 = tpu.memref_slice %arg6[%dma_start3A_43, %dma_start3A_44] : memref<640x64xf32, #tpu.memory_space<vmem>> -> memref<128x64xf32, #tpu.memory_space<vmem>>
    %dma_start3A_46 = arith.constant 0 : i32
    %dma_start3A_47 = tpu.memref_slice %arg5[%dma_start3A_42, %dma_start3A_46] : memref<200x128xi32, #tpu.memory_space<vmem>> -> memref<1x128xi32, #tpu.memory_space<vmem>>
    %dma_start3A_48 = tpu.memref_squeeze %dma_start3A_47 : memref<1x128xi32, #tpu.memory_space<vmem>> -> memref<128xi32, #tpu.memory_space<vmem>>
    %dma_start3A_49 = arith.constant 0 : i32
    %dma_start3A_50 = arith.constant 0 : i32
    %dma_start3A_51 = tpu.memref_slice %arg2[%dma_start3A_49, %dma_start3A_50] : memref<2000000x64xf32, #tpu.memory_space<hbm>> -> memref<2000000x64xf32, #tpu.memory_space<hbm>>
    tpu.enqueue_indirect_dma source(%dma_start3A_51 : memref<2000000x64xf32, #tpu.memory_space<hbm>>) target(%dma_start3A_45 : memref<128x64xf32, #tpu.memory_space<vmem>>) offsets(%dma_start3A_48 : memref<128xi32, #tpu.memory_space<vmem>>) semaphore(%arg8 : memref<!tpu.dma_semaphore, #tpu.memory_space<semaphore_mem>>)
    %scan3A = arith.constant 0 : i32
    %scan3A_52 = arith.constant 0 : i32
    %scan3A_53 = arith.constant 20 : i32
    %scan3A_54 = arith.addi %scan3A_52, %scan3A_53 : i32
    %scan3A_55 = arith.constant 1 : i32
    scf.for %scan3A_68 = %scan3A_52 to %scan3A_54 step %scan3A_55  : i32 {
      %mul3A_69 = arith.constant 2 : i32
      %mul3A_70 = arith.muli %mul3A_69, %scan3A_68 : i32
      %add3A_71 = arith.constant 1 : i32
      %add3A_72 = arith.addi %mul3A_70, %add3A_71 : i32
      %mul3A_73 = arith.constant 5 : i32
      %mul3A_74 = arith.muli %mul3A_70, %mul3A_73 : i32
      %add3A_75 = arith.constant 0 : i32
      %add3A_76 = arith.addi %mul3A_74, %add3A_75 : i32
      %mul3A_77 = arith.constant 5 : i32
      %mul3A_78 = arith.muli %mul3A_70, %mul3A_77 : i32
      %add3A_79 = arith.constant 1 : i32
      %add3A_80 = arith.addi %mul3A_78, %add3A_79 : i32
      %mul3A_81 = arith.constant 5 : i32
      %mul3A_82 = arith.muli %mul3A_70, %mul3A_81 : i32
      %add3A_83 = arith.constant 2 : i32
      %add3A_84 = arith.addi %mul3A_82, %add3A_83 : i32
      %mul3A_85 = arith.constant 5 : i32
      %mul3A_86 = arith.muli %mul3A_70, %mul3A_85 : i32
      %add3A_87 = arith.constant 3 : i32
      %add3A_88 = arith.addi %mul3A_86, %add3A_87 : i32
      %mul3A_89 = arith.constant 5 : i32
      %mul3A_90 = arith.muli %mul3A_70, %mul3A_89 : i32
      %add3A_91 = arith.constant 4 : i32
      %add3A_92 = arith.addi %mul3A_90, %add3A_91 : i32
      %dma_wait3A_93 = arith.constant 0 : i32
      %dma_wait3A_94 = arith.constant 0 : i32
      %dma_wait3A_95 = tpu.memref_slice %arg6[%dma_wait3A_93, %dma_wait3A_94] : memref<640x64xf32, #tpu.memory_space<vmem>> -> memref<128x64xf32, #tpu.memory_space<vmem>>
      %dma_wait3A_96 = arith.constant 0 : i32
      %dma_wait3A_97 = tpu.memref_slice %arg5[%add3A_76, %dma_wait3A_96] : memref<200x128xi32, #tpu.memory_space<vmem>> -> memref<1x128xi32, #tpu.memory_space<vmem>>
      %dma_wait3A_98 = tpu.memref_squeeze %dma_wait3A_97 : memref<1x128xi32, #tpu.memory_space<vmem>> -> memref<128xi32, #tpu.memory_space<vmem>>
      %dma_wait3A_99 = arith.constant 0 : i32
      %dma_wait3A_100 = arith.constant 0 : i32
      %dma_wait3A_101 = tpu.memref_slice %arg2[%dma_wait3A_99, %dma_wait3A_100] : memref<2000000x64xf32, #tpu.memory_space<hbm>> -> memref<2000000x64xf32, #tpu.memory_space<hbm>>
      tpu.wait_indirect_dma semaphore(%arg8 : memref<!tpu.dma_semaphore, #tpu.memory_space<semaphore_mem>>) src(%dma_wait3A_101 : memref<2000000x64xf32, #tpu.memory_space<hbm>>) dst(%dma_wait3A_95 : memref<128x64xf32, #tpu.memory_space<vmem>>)
      %dma_wait3A_102 = arith.constant 128 : i32
      %dma_wait3A_103 = arith.constant 0 : i32
      %dma_wait3A_104 = tpu.memref_slice %arg6[%dma_wait3A_102, %dma_wait3A_103] : memref<640x64xf32, #tpu.memory_space<vmem>> -> memref<128x64xf32, #tpu.memory_space<vmem>>
      %dma_wait3A_105 = arith.constant 0 : i32
      %dma_wait3A_106 = tpu.memref_slice %arg5[%add3A_80, %dma_wait3A_105] : memref<200x128xi32, #tpu.memory_space<vmem>> -> memref<1x128xi32, #tpu.memory_space<vmem>>
      %dma_wait3A_107 = tpu.memref_squeeze %dma_wait3A_106 : memref<1x128xi32, #tpu.memory_space<vmem>> -> memref<128xi32, #tpu.memory_space<vmem>>
      %dma_wait3A_108 = arith.constant 0 : i32
      %dma_wait3A_109 = arith.constant 0 : i32
      %dma_wait3A_110 = tpu.memref_slice %arg2[%dma_wait3A_108, %dma_wait3A_109] : memref<2000000x64xf32, #tpu.memory_space<hbm>> -> memref<2000000x64xf32, #tpu.memory_space<hbm>>
      tpu.wait_indirect_dma semaphore(%arg8 : memref<!tpu.dma_semaphore, #tpu.memory_space<semaphore_mem>>) src(%dma_wait3A_110 : memref<2000000x64xf32, #tpu.memory_space<hbm>>) dst(%dma_wait3A_104 : memref<128x64xf32, #tpu.memory_space<vmem>>)
      %dma_wait3A_111 = arith.constant 256 : i32
      %dma_wait3A_112 = arith.constant 0 : i32
      %dma_wait3A_113 = tpu.memref_slice %arg6[%dma_wait3A_111, %dma_wait3A_112] : memref<640x64xf32, #tpu.memory_space<vmem>> -> memref<128x64xf32, #tpu.memory_space<vmem>>
      %dma_wait3A_114 = arith.constant 0 : i32
      %dma_wait3A_115 = tpu.memref_slice %arg5[%add3A_84, %dma_wait3A_114] : memref<200x128xi32, #tpu.memory_space<vmem>> -> memref<1x128xi32, #tpu.memory_space<vmem>>
      %dma_wait3A_116 = tpu.memref_squeeze %dma_wait3A_115 : memref<1x128xi32, #tpu.memory_space<vmem>> -> memref<128xi32, #tpu.memory_space<vmem>>
      %dma_wait3A_117 = arith.constant 0 : i32
      %dma_wait3A_118 = arith.constant 0 : i32
      %dma_wait3A_119 = tpu.memref_slice %arg2[%dma_wait3A_117, %dma_wait3A_118] : memref<2000000x64xf32, #tpu.memory_space<hbm>> -> memref<2000000x64xf32, #tpu.memory_space<hbm>>
      tpu.wait_indirect_dma semaphore(%arg8 : memref<!tpu.dma_semaphore, #tpu.memory_space<semaphore_mem>>) src(%dma_wait3A_119 : memref<2000000x64xf32, #tpu.memory_space<hbm>>) dst(%dma_wait3A_113 : memref<128x64xf32, #tpu.memory_space<vmem>>)
      %dma_wait3A_120 = arith.constant 384 : i32
      %dma_wait3A_121 = arith.constant 0 : i32
      %dma_wait3A_122 = tpu.memref_slice %arg6[%dma_wait3A_120, %dma_wait3A_121] : memref<640x64xf32, #tpu.memory_space<vmem>> -> memref<128x64xf32, #tpu.memory_space<vmem>>
      %dma_wait3A_123 = arith.constant 0 : i32
      %dma_wait3A_124 = tpu.memref_slice %arg5[%add3A_88, %dma_wait3A_123] : memref<200x128xi32, #tpu.memory_space<vmem>> -> memref<1x128xi32, #tpu.memory_space<vmem>>
      %dma_wait3A_125 = tpu.memref_squeeze %dma_wait3A_124 : memref<1x128xi32, #tpu.memory_space<vmem>> -> memref<128xi32, #tpu.memory_space<vmem>>
      %dma_wait3A_126 = arith.constant 0 : i32
      %dma_wait3A_127 = arith.constant 0 : i32
      %dma_wait3A_128 = tpu.memref_slice %arg2[%dma_wait3A_126, %dma_wait3A_127] : memref<2000000x64xf32, #tpu.memory_space<hbm>> -> memref<2000000x64xf32, #tpu.memory_space<hbm>>
      tpu.wait_indirect_dma semaphore(%arg8 : memref<!tpu.dma_semaphore, #tpu.memory_space<semaphore_mem>>) src(%dma_wait3A_128 : memref<2000000x64xf32, #tpu.memory_space<hbm>>) dst(%dma_wait3A_122 : memref<128x64xf32, #tpu.memory_space<vmem>>)
      %dma_wait3A_129 = arith.constant 512 : i32
      %dma_wait3A_130 = arith.constant 0 : i32
      %dma_wait3A_131 = tpu.memref_slice %arg6[%dma_wait3A_129, %dma_wait3A_130] : memref<640x64xf32, #tpu.memory_space<vmem>> -> memref<128x64xf32, #tpu.memory_space<vmem>>
      %dma_wait3A_132 = arith.constant 0 : i32
      %dma_wait3A_133 = tpu.memref_slice %arg5[%add3A_92, %dma_wait3A_132] : memref<200x128xi32, #tpu.memory_space<vmem>> -> memref<1x128xi32, #tpu.memory_space<vmem>>
      %dma_wait3A_134 = tpu.memref_squeeze %dma_wait3A_133 : memref<1x128xi32, #tpu.memory_space<vmem>> -> memref<128xi32, #tpu.memory_space<vmem>>
      %dma_wait3A_135 = arith.constant 0 : i32
      %dma_wait3A_136 = arith.constant 0 : i32
      %dma_wait3A_137 = tpu.memref_slice %arg2[%dma_wait3A_135, %dma_wait3A_136] : memref<2000000x64xf32, #tpu.memory_space<hbm>> -> memref<2000000x64xf32, #tpu.memory_space<hbm>>
      tpu.wait_indirect_dma semaphore(%arg8 : memref<!tpu.dma_semaphore, #tpu.memory_space<semaphore_mem>>) src(%dma_wait3A_137 : memref<2000000x64xf32, #tpu.memory_space<hbm>>) dst(%dma_wait3A_131 : memref<128x64xf32, #tpu.memory_space<vmem>>)
      %gt3A = arith.constant 0 : i32
      %gt3A_138 = arith.cmpi sgt, %scan3A_68, %gt3A : i32
      %convert_element_type3A = arith.extui %gt3A_138 : i1 to i32
      %cond3A = arith.constant 0 : i32
      %cond3A_139 = arith.cmpi ne, %convert_element_type3A, %cond3A : i32
      scf.if %cond3A_139 {
        %sub3A = arith.constant 2 : i32
        %sub3A_302 = arith.subi %add3A_72, %sub3A : i32
        %mul3A_303 = arith.constant 640 : i32
        %mul3A_304 = arith.muli %sub3A_302, %mul3A_303 : i32
        %add3A_305 = arith.addi %mul3A_2, %mul3A_304 : i32
        %dma_wait3A_306 = arith.constant 0 : i32
        %dma_wait3A_307 = tpu.memref_slice %arg4[%add3A_305, %dma_wait3A_306] : memref<819200x128xf32, #tpu.memory_space<hbm>> -> memref<640x64xf32, #tpu.memory_space<hbm>>
        %dma_wait3A_308 = arith.constant 0 : i32
        %dma_wait3A_309 = tpu.memref_slice %arg4[%add3A_305, %dma_wait3A_308] : memref<819200x128xf32, #tpu.memory_space<hbm>> -> memref<640x64xf32, #tpu.memory_space<hbm>>
        tpu.wait_dma2 semaphore(%arg11 : memref<!tpu.dma_semaphore, #tpu.memory_space<semaphore_mem>>) src(%arg7 : memref<640x64xf32, #tpu.memory_space<vmem>>) dst(%dma_wait3A_309 : memref<640x64xf32, #tpu.memory_space<hbm>>)
      } else {
      }
      %mul3A_140 = arith.constant 5 : i32
      %mul3A_141 = arith.muli %add3A_72, %mul3A_140 : i32
      %add3A_142 = arith.constant 0 : i32
      %add3A_143 = arith.addi %mul3A_141, %add3A_142 : i32
      %mul3A_144 = arith.constant 5 : i32
      %mul3A_145 = arith.muli %add3A_72, %mul3A_144 : i32
      %add3A_146 = arith.constant 1 : i32
      %add3A_147 = arith.addi %mul3A_145, %add3A_146 : i32
      %mul3A_148 = arith.constant 5 : i32
      %mul3A_149 = arith.muli %add3A_72, %mul3A_148 : i32
      %add3A_150 = arith.constant 2 : i32
      %add3A_151 = arith.addi %mul3A_149, %add3A_150 : i32
      %mul3A_152 = arith.constant 5 : i32
      %mul3A_153 = arith.muli %add3A_72, %mul3A_152 : i32
      %add3A_154 = arith.constant 3 : i32
      %add3A_155 = arith.addi %mul3A_153, %add3A_154 : i32
      %mul3A_156 = arith.constant 5 : i32
      %mul3A_157 = arith.muli %add3A_72, %mul3A_156 : i32
      %add3A_158 = arith.constant 4 : i32
      %add3A_159 = arith.addi %mul3A_157, %add3A_158 : i32
      %dma_start3A_160 = arith.constant 0 : i32
      %dma_start3A_161 = arith.constant 0 : i32
      %dma_start3A_162 = tpu.memref_slice %arg7[%dma_start3A_160, %dma_start3A_161] : memref<640x64xf32, #tpu.memory_space<vmem>> -> memref<128x64xf32, #tpu.memory_space<vmem>>
      %dma_start3A_163 = arith.constant 0 : i32
      %dma_start3A_164 = tpu.memref_slice %arg5[%add3A_143, %dma_start3A_163] : memref<200x128xi32, #tpu.memory_space<vmem>> -> memref<1x128xi32, #tpu.memory_space<vmem>>
      %dma_start3A_165 = tpu.memref_squeeze %dma_start3A_164 : memref<1x128xi32, #tpu.memory_space<vmem>> -> memref<128xi32, #tpu.memory_space<vmem>>
      %dma_start3A_166 = arith.constant 0 : i32
      %dma_start3A_167 = arith.constant 0 : i32
      %dma_start3A_168 = tpu.memref_slice %arg2[%dma_start3A_166, %dma_start3A_167] : memref<2000000x64xf32, #tpu.memory_space<hbm>> -> memref<2000000x64xf32, #tpu.memory_space<hbm>>
      tpu.enqueue_indirect_dma source(%dma_start3A_168 : memref<2000000x64xf32, #tpu.memory_space<hbm>>) target(%dma_start3A_162 : memref<128x64xf32, #tpu.memory_space<vmem>>) offsets(%dma_start3A_165 : memref<128xi32, #tpu.memory_space<vmem>>) semaphore(%arg9 : memref<!tpu.dma_semaphore, #tpu.memory_space<semaphore_mem>>)
      %dma_start3A_169 = arith.constant 128 : i32
      %dma_start3A_170 = arith.constant 0 : i32
      %dma_start3A_171 = tpu.memref_slice %arg7[%dma_start3A_169, %dma_start3A_170] : memref<640x64xf32, #tpu.memory_space<vmem>> -> memref<128x64xf32, #tpu.memory_space<vmem>>
      %dma_start3A_172 = arith.constant 0 : i32
      %dma_start3A_173 = tpu.memref_slice %arg5[%add3A_147, %dma_start3A_172] : memref<200x128xi32, #tpu.memory_space<vmem>> -> memref<1x128xi32, #tpu.memory_space<vmem>>
      %dma_start3A_174 = tpu.memref_squeeze %dma_start3A_173 : memref<1x128xi32, #tpu.memory_space<vmem>> -> memref<128xi32, #tpu.memory_space<vmem>>
      %dma_start3A_175 = arith.constant 0 : i32
      %dma_start3A_176 = arith.constant 0 : i32
      %dma_start3A_177 = tpu.memref_slice %arg2[%dma_start3A_175, %dma_start3A_176] : memref<2000000x64xf32, #tpu.memory_space<hbm>> -> memref<2000000x64xf32, #tpu.memory_space<hbm>>
      tpu.enqueue_indirect_dma source(%dma_start3A_177 : memref<2000000x64xf32, #tpu.memory_space<hbm>>) target(%dma_start3A_171 : memref<128x64xf32, #tpu.memory_space<vmem>>) offsets(%dma_start3A_174 : memref<128xi32, #tpu.memory_space<vmem>>) semaphore(%arg9 : memref<!tpu.dma_semaphore, #tpu.memory_space<semaphore_mem>>)
      %dma_start3A_178 = arith.constant 256 : i32
      %dma_start3A_179 = arith.constant 0 : i32
      %dma_start3A_180 = tpu.memref_slice %arg7[%dma_start3A_178, %dma_start3A_179] : memref<640x64xf32, #tpu.memory_space<vmem>> -> memref<128x64xf32, #tpu.memory_space<vmem>>
      %dma_start3A_181 = arith.constant 0 : i32
      %dma_start3A_182 = tpu.memref_slice %arg5[%add3A_151, %dma_start3A_181] : memref<200x128xi32, #tpu.memory_space<vmem>> -> memref<1x128xi32, #tpu.memory_space<vmem>>
      %dma_start3A_183 = tpu.memref_squeeze %dma_start3A_182 : memref<1x128xi32, #tpu.memory_space<vmem>> -> memref<128xi32, #tpu.memory_space<vmem>>
      %dma_start3A_184 = arith.constant 0 : i32
      %dma_start3A_185 = arith.constant 0 : i32
      %dma_start3A_186 = tpu.memref_slice %arg2[%dma_start3A_184, %dma_start3A_185] : memref<2000000x64xf32, #tpu.memory_space<hbm>> -> memref<2000000x64xf32, #tpu.memory_space<hbm>>
      tpu.enqueue_indirect_dma source(%dma_start3A_186 : memref<2000000x64xf32, #tpu.memory_space<hbm>>) target(%dma_start3A_180 : memref<128x64xf32, #tpu.memory_space<vmem>>) offsets(%dma_start3A_183 : memref<128xi32, #tpu.memory_space<vmem>>) semaphore(%arg9 : memref<!tpu.dma_semaphore, #tpu.memory_space<semaphore_mem>>)
      %dma_start3A_187 = arith.constant 384 : i32
      %dma_start3A_188 = arith.constant 0 : i32
      %dma_start3A_189 = tpu.memref_slice %arg7[%dma_start3A_187, %dma_start3A_188] : memref<640x64xf32, #tpu.memory_space<vmem>> -> memref<128x64xf32, #tpu.memory_space<vmem>>
      %dma_start3A_190 = arith.constant 0 : i32
      %dma_start3A_191 = tpu.memref_slice %arg5[%add3A_155, %dma_start3A_190] : memref<200x128xi32, #tpu.memory_space<vmem>> -> memref<1x128xi32, #tpu.memory_space<vmem>>
      %dma_start3A_192 = tpu.memref_squeeze %dma_start3A_191 : memref<1x128xi32, #tpu.memory_space<vmem>> -> memref<128xi32, #tpu.memory_space<vmem>>
      %dma_start3A_193 = arith.constant 0 : i32
      %dma_start3A_194 = arith.constant 0 : i32
      %dma_start3A_195 = tpu.memref_slice %arg2[%dma_start3A_193, %dma_start3A_194] : memref<2000000x64xf32, #tpu.memory_space<hbm>> -> memref<2000000x64xf32, #tpu.memory_space<hbm>>
      tpu.enqueue_indirect_dma source(%dma_start3A_195 : memref<2000000x64xf32, #tpu.memory_space<hbm>>) target(%dma_start3A_189 : memref<128x64xf32, #tpu.memory_space<vmem>>) offsets(%dma_start3A_192 : memref<128xi32, #tpu.memory_space<vmem>>) semaphore(%arg9 : memref<!tpu.dma_semaphore, #tpu.memory_space<semaphore_mem>>)
      %dma_start3A_196 = arith.constant 512 : i32
      %dma_start3A_197 = arith.constant 0 : i32
      %dma_start3A_198 = tpu.memref_slice %arg7[%dma_start3A_196, %dma_start3A_197] : memref<640x64xf32, #tpu.memory_space<vmem>> -> memref<128x64xf32, #tpu.memory_space<vmem>>
      %dma_start3A_199 = arith.constant 0 : i32
      %dma_start3A_200 = tpu.memref_slice %arg5[%add3A_159, %dma_start3A_199] : memref<200x128xi32, #tpu.memory_space<vmem>> -> memref<1x128xi32, #tpu.memory_space<vmem>>
      %dma_start3A_201 = tpu.memref_squeeze %dma_start3A_200 : memref<1x128xi32, #tpu.memory_space<vmem>> -> memref<128xi32, #tpu.memory_space<vmem>>
      %dma_start3A_202 = arith.constant 0 : i32
      %dma_start3A_203 = arith.constant 0 : i32
      %dma_start3A_204 = tpu.memref_slice %arg2[%dma_start3A_202, %dma_start3A_203] : memref<2000000x64xf32, #tpu.memory_space<hbm>> -> memref<2000000x64xf32, #tpu.memory_space<hbm>>
      tpu.enqueue_indirect_dma source(%dma_start3A_204 : memref<2000000x64xf32, #tpu.memory_space<hbm>>) target(%dma_start3A_198 : memref<128x64xf32, #tpu.memory_space<vmem>>) offsets(%dma_start3A_201 : memref<128xi32, #tpu.memory_space<vmem>>) semaphore(%arg9 : memref<!tpu.dma_semaphore, #tpu.memory_space<semaphore_mem>>)
      %scan3A_205 = arith.constant 0 : i32
      %scan3A_206 = arith.constant 0 : i32
      %scan3A_207 = arith.constant 40 : i32
      %scan3A_208 = arith.addi %scan3A_206, %scan3A_207 : i32
      %scan3A_209 = arith.constant 1 : i32
      scf.for %scan3A_302 = %scan3A_206 to %scan3A_208 step %scan3A_209  : i32 {
        %mul3A_303 = arith.constant 5 : i32
        %mul3A_304 = arith.muli %mul3A_70, %mul3A_303 : i32
        %jit3A = arith.constant 8 : i32
        %div3A = arith.divsi %scan3A_302, %jit3A : i32
        %sign3A = arith.constant 0 : i32
        %sign3A_305 = arith.cmpi sgt, %scan3A_302, %sign3A : i32
        %sign3A_306 = arith.extui %sign3A_305 : i1 to i32
        %sign3A_307 = arith.constant 0 : i32
        %sign3A_308 = arith.cmpi slt, %scan3A_302, %sign3A_307 : i32
        %sign3A_309 = arith.extui %sign3A_308 : i1 to i32
        %sign3A_310 = arith.subi %sign3A_306, %sign3A_309 : i32
        %sign3A_311 = arith.constant 0 : i32
        %sign3A_312 = arith.cmpi sgt, %jit3A, %sign3A_311 : i32
        %sign3A_313 = arith.extui %sign3A_312 : i1 to i32
        %sign3A_314 = arith.constant 0 : i32
        %sign3A_315 = arith.cmpi slt, %jit3A, %sign3A_314 : i32
        %sign3A_316 = arith.extui %sign3A_315 : i1 to i32
        %sign3A_317 = arith.subi %sign3A_313, %sign3A_316 : i32
        %ne3A = arith.cmpi ne, %sign3A_310, %sign3A_317 : i32
        %rem3A = arith.remsi %scan3A_302, %jit3A : i32
        %ne3A_318 = arith.constant 0 : i32
        %ne3A_319 = arith.cmpi ne, %rem3A, %ne3A_318 : i32
        %and3A = arith.andi %ne3A, %ne3A_319 : i1
        %sub3A = arith.constant 1 : i32
        %sub3A_320 = arith.subi %div3A, %sub3A : i32
        %select_n3A = arith.select %and3A, %sub3A_320, %div3A : i32
        %add3A_321 = arith.addi %mul3A_304, %select_n3A : i32
        %jit3A_322 = arith.constant 8 : i32
        %eq3A = arith.constant 0 : i32
        %eq3A_323 = arith.cmpi eq, %jit3A_322, %eq3A : i32
        %jit3A_324 = arith.constant 1 : i32
        %select_n3A_325 = arith.select %eq3A_323, %jit3A_324, %jit3A_322 : i32
        %rem3A_326 = arith.remsi %scan3A_302, %select_n3A_325 : i32
        %ne3A_327 = arith.constant 0 : i32
        %ne3A_328 = arith.cmpi ne, %rem3A_326, %ne3A_327 : i32
        %lt3A_329 = arith.constant 0 : i32
        %lt3A_330 = arith.cmpi slt, %rem3A_326, %lt3A_329 : i32
        %lt3A_331 = arith.constant 0 : i32
        %lt3A_332 = arith.cmpi slt, %select_n3A_325, %lt3A_331 : i32
        %ne3A_333 = arith.xori %lt3A_330, %lt3A_332 : i1
        %and3A_334 = arith.andi %ne3A_333, %ne3A_328 : i1
        %add3A_335 = arith.addi %rem3A_326, %select_n3A_325 : i32
        %select_n3A_336 = arith.select %and3A_334, %add3A_335, %rem3A_326 : i32
        %mul3A_337 = arith.constant 16 : i32
        %mul3A_338 = arith.muli %select_n3A_336, %mul3A_337 : i32
        %get3A = arith.index_cast %add3A_321 : i32 to index
        %get3A_339 = arith.index_cast %mul3A_338 : i32 to index
        %get3A_340 = tpu.vector_load %arg5[%get3A, %get3A_339] {strides = array<i32>} : memref<200x128xi32, #tpu.memory_space<vmem>>, vector<16xi32>,
        %eq3A_341 = arith.constant 0 : i32
        %eq3A_342 = vector.broadcast %eq3A_341 : i32 to vector<16xi32>
        %eq3A_343 = arith.cmpi eq, %get3A_340, %eq3A_342 : vector<16xi32>
        %convert_element_type3A_344 = arith.extui %eq3A_343 : vector<16xi1> to vector<16xi32>
        %reduce_max3A = arith.constant true
        %reduce_max3A_345 = vector.broadcast %reduce_max3A : i1 to vector<16xi1>
        %reduce_max3A_346 = arith.constant -2147483648 : i32
        %reduce_max3A_347 = vector.broadcast %reduce_max3A_346 : i32 to vector<16xi32>
        %reduce_max3A_348 = arith.xori %convert_element_type3A_344, %reduce_max3A_347 : vector<16xi32>
        %reduce_max3A_349 = tpu.scan <max>, %reduce_max3A_348 masked %reduce_max3A_345 : vector<16xi32>, vector<16xi1> -> vector<16xi32>
        %reduce_max3A_350 = arith.xori %reduce_max3A_349, %reduce_max3A_347 : vector<16xi32>
        %reduce_max3A_351 = vector.extract %reduce_max3A_350[15] : i32 from vector<16xi32>
        %gt3A_352 = arith.constant 0 : i32
        %gt3A_353 = arith.cmpi sgt, %reduce_max3A_351, %gt3A_352 : i32
        %convert_element_type3A_354 = arith.extui %gt3A_353 : i1 to i32
        %cond3A_355 = arith.constant 0 : i32
        %cond3A_356 = arith.cmpi ne, %convert_element_type3A_354, %cond3A_355 : i32
        scf.if %cond3A_356 {
          %mul3A_357 = arith.constant 16 : i32
          %mul3A_358 = arith.muli %scan3A_302, %mul3A_357 : i32
          %iota3A = tpu.iota {dimensions = array<i32: 0>} : vector<16xi32>
          %add3A_359 = vector.broadcast %mul3A_358 : i32 to vector<16xi32>
          %add3A_360 = arith.addi %add3A_359, %iota3A : vector<16xi32>
          %broadcast_in_dim3A = arith.constant 0.000000e+00 : f32
          %broadcast_in_dim3A_361 = vector.broadcast %broadcast_in_dim3A : f32 to vector<16xf32>
          %scan3A_362 = arith.constant 0 : i32
          %scan3A_363 = arith.constant 0 : i32
          %scan3A_364 = arith.constant 64 : i32
          %scan3A_365 = arith.addi %scan3A_363, %scan3A_364 : i32
          %scan3A_366 = arith.constant 1 : i32
          scf.for %scan3A_368 = %scan3A_363 to %scan3A_365 step %scan3A_366  : i32 {
            %broadcast_in_dim3A_369 = vector.broadcast %scan3A_368 : i32 to vector<16xi32>
            tpu.vector_store_idx %arg6[%add3A_360, %broadcast_in_dim3A_369], %broadcast_in_dim3A_361 masked %eq3A_343 : memref<640x64xf32, #tpu.memory_space<vmem>>[vector<16xi32>, vector<16xi32>], vector<16xf32>, vector<16xi1>
          }
          %scan3A_367 = arith.constant 64 : i32
        } else {
        }
      }
      %scan3A_210 = arith.constant 40 : i32
      %mul3A_211 = arith.constant 640 : i32
      %mul3A_212 = arith.muli %mul3A_70, %mul3A_211 : i32
      %add3A_213 = arith.addi %mul3A_2, %mul3A_212 : i32
      %dma_start3A_214 = arith.constant 0 : i32
      %dma_start3A_215 = tpu.memref_slice %arg4[%add3A_213, %dma_start3A_214] : memref<819200x128xf32, #tpu.memory_space<hbm>> -> memref<640x64xf32, #tpu.memory_space<hbm>>
      %dma_start3A_216 = arith.constant 0 : i32
      %dma_start3A_217 = tpu.memref_slice %arg4[%add3A_213, %dma_start3A_216] : memref<819200x128xf32, #tpu.memory_space<hbm>> -> memref<640x64xf32, #tpu.memory_space<hbm>>
      tpu.enqueue_dma source(%arg6 : memref<640x64xf32, #tpu.memory_space<vmem>>) target(%dma_start3A_217 : memref<640x64xf32, #tpu.memory_space<hbm>>) target_semaphore(%arg10 : memref<!tpu.dma_semaphore, #tpu.memory_space<semaphore_mem>>)
      %mul3A_218 = arith.constant 5 : i32
      %mul3A_219 = arith.muli %add3A_72, %mul3A_218 : i32
      %add3A_220 = arith.constant 0 : i32
      %add3A_221 = arith.addi %mul3A_219, %add3A_220 : i32
      %mul3A_222 = arith.constant 5 : i32
      %mul3A_223 = arith.muli %add3A_72, %mul3A_222 : i32
      %add3A_224 = arith.constant 1 : i32
      %add3A_225 = arith.addi %mul3A_223, %add3A_224 : i32
      %mul3A_226 = arith.constant 5 : i32
      %mul3A_227 = arith.muli %add3A_72, %mul3A_226 : i32
      %add3A_228 = arith.constant 2 : i32
      %add3A_229 = arith.addi %mul3A_227, %add3A_228 : i32
      %mul3A_230 = arith.constant 5 : i32
      %mul3A_231 = arith.muli %add3A_72, %mul3A_230 : i32
      %add3A_232 = arith.constant 3 : i32
      %add3A_233 = arith.addi %mul3A_231, %add3A_232 : i32
      %mul3A_234 = arith.constant 5 : i32
      %mul3A_235 = arith.muli %add3A_72, %mul3A_234 : i32
      %add3A_236 = arith.constant 4 : i32
      %add3A_237 = arith.addi %mul3A_235, %add3A_236 : i32
      %dma_wait3A_238 = arith.constant 0 : i32
      %dma_wait3A_239 = arith.constant 0 : i32
      %dma_wait3A_240 = tpu.memref_slice %arg7[%dma_wait3A_238, %dma_wait3A_239] : memref<640x64xf32, #tpu.memory_space<vmem>> -> memref<128x64xf32, #tpu.memory_space<vmem>>
      %dma_wait3A_241 = arith.constant 0 : i32
      %dma_wait3A_242 = tpu.memref_slice %arg5[%add3A_221, %dma_wait3A_241] : memref<200x128xi32, #tpu.memory_space<vmem>> -> memref<1x128xi32, #tpu.memory_space<vmem>>
      %dma_wait3A_243 = tpu.memref_squeeze %dma_wait3A_242 : memref<1x128xi32, #tpu.memory_space<vmem>> -> memref<128xi32, #tpu.memory_space<vmem>>
      %dma_wait3A_244 = arith.constant 0 : i32
      %dma_wait3A_245 = arith.constant 0 : i32
      %dma_wait3A_246 = tpu.memref_slice %arg2[%dma_wait3A_244, %dma_wait3A_245] : memref<2000000x64xf32, #tpu.memory_space<hbm>> -> memref<2000000x64xf32, #tpu.memory_space<hbm>>
      tpu.wait_indirect_dma semaphore(%arg9 : memref<!tpu.dma_semaphore, #tpu.memory_space<semaphore_mem>>) src(%dma_wait3A_246 : memref<2000000x64xf32, #tpu.memory_space<hbm>>) dst(%dma_wait3A_240 : memref<128x64xf32, #tpu.memory_space<vmem>>)
      %dma_wait3A_247 = arith.constant 128 : i32
      %dma_wait3A_248 = arith.constant 0 : i32
      %dma_wait3A_249 = tpu.memref_slice %arg7[%dma_wait3A_247, %dma_wait3A_248] : memref<640x64xf32, #tpu.memory_space<vmem>> -> memref<128x64xf32, #tpu.memory_space<vmem>>
      %dma_wait3A_250 = arith.constant 0 : i32
      %dma_wait3A_251 = tpu.memref_slice %arg5[%add3A_225, %dma_wait3A_250] : memref<200x128xi32, #tpu.memory_space<vmem>> -> memref<1x128xi32, #tpu.memory_space<vmem>>
      %dma_wait3A_252 = tpu.memref_squeeze %dma_wait3A_251 : memref<1x128xi32, #tpu.memory_space<vmem>> -> memref<128xi32, #tpu.memory_space<vmem>>
      %dma_wait3A_253 = arith.constant 0 : i32
      %dma_wait3A_254 = arith.constant 0 : i32
      %dma_wait3A_255 = tpu.memref_slice %arg2[%dma_wait3A_253, %dma_wait3A_254] : memref<2000000x64xf32, #tpu.memory_space<hbm>> -> memref<2000000x64xf32, #tpu.memory_space<hbm>>
      tpu.wait_indirect_dma semaphore(%arg9 : memref<!tpu.dma_semaphore, #tpu.memory_space<semaphore_mem>>) src(%dma_wait3A_255 : memref<2000000x64xf32, #tpu.memory_space<hbm>>) dst(%dma_wait3A_249 : memref<128x64xf32, #tpu.memory_space<vmem>>)
      %dma_wait3A_256 = arith.constant 256 : i32
      %dma_wait3A_257 = arith.constant 0 : i32
      %dma_wait3A_258 = tpu.memref_slice %arg7[%dma_wait3A_256, %dma_wait3A_257] : memref<640x64xf32, #tpu.memory_space<vmem>> -> memref<128x64xf32, #tpu.memory_space<vmem>>
      %dma_wait3A_259 = arith.constant 0 : i32
      %dma_wait3A_260 = tpu.memref_slice %arg5[%add3A_229, %dma_wait3A_259] : memref<200x128xi32, #tpu.memory_space<vmem>> -> memref<1x128xi32, #tpu.memory_space<vmem>>
      %dma_wait3A_261 = tpu.memref_squeeze %dma_wait3A_260 : memref<1x128xi32, #tpu.memory_space<vmem>> -> memref<128xi32, #tpu.memory_space<vmem>>
      %dma_wait3A_262 = arith.constant 0 : i32
      %dma_wait3A_263 = arith.constant 0 : i32
      %dma_wait3A_264 = tpu.memref_slice %arg2[%dma_wait3A_262, %dma_wait3A_263] : memref<2000000x64xf32, #tpu.memory_space<hbm>> -> memref<2000000x64xf32, #tpu.memory_space<hbm>>
      tpu.wait_indirect_dma semaphore(%arg9 : memref<!tpu.dma_semaphore, #tpu.memory_space<semaphore_mem>>) src(%dma_wait3A_264 : memref<2000000x64xf32, #tpu.memory_space<hbm>>) dst(%dma_wait3A_258 : memref<128x64xf32, #tpu.memory_space<vmem>>)
      %dma_wait3A_265 = arith.constant 384 : i32
      %dma_wait3A_266 = arith.constant 0 : i32
      %dma_wait3A_267 = tpu.memref_slice %arg7[%dma_wait3A_265, %dma_wait3A_266] : memref<640x64xf32, #tpu.memory_space<vmem>> -> memref<128x64xf32, #tpu.memory_space<vmem>>
      %dma_wait3A_268 = arith.constant 0 : i32
      %dma_wait3A_269 = tpu.memref_slice %arg5[%add3A_233, %dma_wait3A_268] : memref<200x128xi32, #tpu.memory_space<vmem>> -> memref<1x128xi32, #tpu.memory_space<vmem>>
      %dma_wait3A_270 = tpu.memref_squeeze %dma_wait3A_269 : memref<1x128xi32, #tpu.memory_space<vmem>> -> memref<128xi32, #tpu.memory_space<vmem>>
      %dma_wait3A_271 = arith.constant 0 : i32
      %dma_wait3A_272 = arith.constant 0 : i32
      %dma_wait3A_273 = tpu.memref_slice %arg2[%dma_wait3A_271, %dma_wait3A_272] : memref<2000000x64xf32, #tpu.memory_space<hbm>> -> memref<2000000x64xf32, #tpu.memory_space<hbm>>
      tpu.wait_indirect_dma semaphore(%arg9 : memref<!tpu.dma_semaphore, #tpu.memory_space<semaphore_mem>>) src(%dma_wait3A_273 : memref<2000000x64xf32, #tpu.memory_space<hbm>>) dst(%dma_wait3A_267 : memref<128x64xf32, #tpu.memory_space<vmem>>)
      %dma_wait3A_274 = arith.constant 512 : i32
      %dma_wait3A_275 = arith.constant 0 : i32
      %dma_wait3A_276 = tpu.memref_slice %arg7[%dma_wait3A_274, %dma_wait3A_275] : memref<640x64xf32, #tpu.memory_space<vmem>> -> memref<128x64xf32, #tpu.memory_space<vmem>>
      %dma_wait3A_277 = arith.constant 0 : i32
      %dma_wait3A_278 = tpu.memref_slice %arg5[%add3A_237, %dma_wait3A_277] : memref<200x128xi32, #tpu.memory_space<vmem>> -> memref<1x128xi32, #tpu.memory_space<vmem>>
      %dma_wait3A_279 = tpu.memref_squeeze %dma_wait3A_278 : memref<1x128xi32, #tpu.memory_space<vmem>> -> memref<128xi32, #tpu.memory_space<vmem>>
      %dma_wait3A_280 = arith.constant 0 : i32
      %dma_wait3A_281 = arith.constant 0 : i32
      %dma_wait3A_282 = tpu.memref_slice %arg2[%dma_wait3A_280, %dma_wait3A_281] : memref<2000000x64xf32, #tpu.memory_space<hbm>> -> memref<2000000x64xf32, #tpu.memory_space<hbm>>
      tpu.wait_indirect_dma semaphore(%arg9 : memref<!tpu.dma_semaphore, #tpu.memory_space<semaphore_mem>>) src(%dma_wait3A_282 : memref<2000000x64xf32, #tpu.memory_space<hbm>>) dst(%dma_wait3A_276 : memref<128x64xf32, #tpu.memory_space<vmem>>)
      %add3A_283 = arith.constant 1 : i32
      %add3A_284 = arith.addi %scan3A_68, %add3A_283 : i32
      %lt3A = arith.constant 20 : i32
      %lt3A_285 = arith.cmpi slt, %add3A_284, %lt3A : i32
      %convert_element_type3A_286 = arith.extui %lt3A_285 : i1 to i32
      %cond3A_287 = arith.constant 0 : i32
      %cond3A_288 = arith.cmpi ne, %convert_element_type3A_286, %cond3A_287 : i32
      scf.if %cond3A_288 {
        %mul3A_302 = arith.constant 640 : i32
        %mul3A_303 = arith.muli %mul3A_70, %mul3A_302 : i32
        %add3A_304 = arith.addi %mul3A_2, %mul3A_303 : i32
        %dma_wait3A_305 = arith.constant 0 : i32
        %dma_wait3A_306 = tpu.memref_slice %arg4[%add3A_304, %dma_wait3A_305] : memref<819200x128xf32, #tpu.memory_space<hbm>> -> memref<640x64xf32, #tpu.memory_space<hbm>>
        %dma_wait3A_307 = arith.constant 0 : i32
        %dma_wait3A_308 = tpu.memref_slice %arg4[%add3A_304, %dma_wait3A_307] : memref<819200x128xf32, #tpu.memory_space<hbm>> -> memref<640x64xf32, #tpu.memory_space<hbm>>
        tpu.wait_dma2 semaphore(%arg10 : memref<!tpu.dma_semaphore, #tpu.memory_space<semaphore_mem>>) src(%arg6 : memref<640x64xf32, #tpu.memory_space<vmem>>) dst(%dma_wait3A_308 : memref<640x64xf32, #tpu.memory_space<hbm>>)
        %add3A_309 = arith.constant 2 : i32
        %add3A_310 = arith.addi %mul3A_70, %add3A_309 : i32
        %mul3A_311 = arith.constant 5 : i32
        %mul3A_312 = arith.muli %add3A_310, %mul3A_311 : i32
        %add3A_313 = arith.constant 0 : i32
        %add3A_314 = arith.addi %mul3A_312, %add3A_313 : i32
        %mul3A_315 = arith.constant 5 : i32
        %mul3A_316 = arith.muli %add3A_310, %mul3A_315 : i32
        %add3A_317 = arith.constant 1 : i32
        %add3A_318 = arith.addi %mul3A_316, %add3A_317 : i32
        %mul3A_319 = arith.constant 5 : i32
        %mul3A_320 = arith.muli %add3A_310, %mul3A_319 : i32
        %add3A_321 = arith.constant 2 : i32
        %add3A_322 = arith.addi %mul3A_320, %add3A_321 : i32
        %mul3A_323 = arith.constant 5 : i32
        %mul3A_324 = arith.muli %add3A_310, %mul3A_323 : i32
        %add3A_325 = arith.constant 3 : i32
        %add3A_326 = arith.addi %mul3A_324, %add3A_325 : i32
        %mul3A_327 = arith.constant 5 : i32
        %mul3A_328 = arith.muli %add3A_310, %mul3A_327 : i32
        %add3A_329 = arith.constant 4 : i32
        %add3A_330 = arith.addi %mul3A_328, %add3A_329 : i32
        %dma_start3A_331 = arith.constant 0 : i32
        %dma_start3A_332 = arith.constant 0 : i32
        %dma_start3A_333 = tpu.memref_slice %arg6[%dma_start3A_331, %dma_start3A_332] : memref<640x64xf32, #tpu.memory_space<vmem>> -> memref<128x64xf32, #tpu.memory_space<vmem>>
        %dma_start3A_334 = arith.constant 0 : i32
        %dma_start3A_335 = tpu.memref_slice %arg5[%add3A_314, %dma_start3A_334] : memref<200x128xi32, #tpu.memory_space<vmem>> -> memref<1x128xi32, #tpu.memory_space<vmem>>
        %dma_start3A_336 = tpu.memref_squeeze %dma_start3A_335 : memref<1x128xi32, #tpu.memory_space<vmem>> -> memref<128xi32, #tpu.memory_space<vmem>>
        %dma_start3A_337 = arith.constant 0 : i32
        %dma_start3A_338 = arith.constant 0 : i32
        %dma_start3A_339 = tpu.memref_slice %arg2[%dma_start3A_337, %dma_start3A_338] : memref<2000000x64xf32, #tpu.memory_space<hbm>> -> memref<2000000x64xf32, #tpu.memory_space<hbm>>
        tpu.enqueue_indirect_dma source(%dma_start3A_339 : memref<2000000x64xf32, #tpu.memory_space<hbm>>) target(%dma_start3A_333 : memref<128x64xf32, #tpu.memory_space<vmem>>) offsets(%dma_start3A_336 : memref<128xi32, #tpu.memory_space<vmem>>) semaphore(%arg8 : memref<!tpu.dma_semaphore, #tpu.memory_space<semaphore_mem>>)
        %dma_start3A_340 = arith.constant 128 : i32
        %dma_start3A_341 = arith.constant 0 : i32
        %dma_start3A_342 = tpu.memref_slice %arg6[%dma_start3A_340, %dma_start3A_341] : memref<640x64xf32, #tpu.memory_space<vmem>> -> memref<128x64xf32, #tpu.memory_space<vmem>>
        %dma_start3A_343 = arith.constant 0 : i32
        %dma_start3A_344 = tpu.memref_slice %arg5[%add3A_318, %dma_start3A_343] : memref<200x128xi32, #tpu.memory_space<vmem>> -> memref<1x128xi32, #tpu.memory_space<vmem>>
        %dma_start3A_345 = tpu.memref_squeeze %dma_start3A_344 : memref<1x128xi32, #tpu.memory_space<vmem>> -> memref<128xi32, #tpu.memory_space<vmem>>
        %dma_start3A_346 = arith.constant 0 : i32
        %dma_start3A_347 = arith.constant 0 : i32
        %dma_start3A_348 = tpu.memref_slice %arg2[%dma_start3A_346, %dma_start3A_347] : memref<2000000x64xf32, #tpu.memory_space<hbm>> -> memref<2000000x64xf32, #tpu.memory_space<hbm>>
        tpu.enqueue_indirect_dma source(%dma_start3A_348 : memref<2000000x64xf32, #tpu.memory_space<hbm>>) target(%dma_start3A_342 : memref<128x64xf32, #tpu.memory_space<vmem>>) offsets(%dma_start3A_345 : memref<128xi32, #tpu.memory_space<vmem>>) semaphore(%arg8 : memref<!tpu.dma_semaphore, #tpu.memory_space<semaphore_mem>>)
        %dma_start3A_349 = arith.constant 256 : i32
        %dma_start3A_350 = arith.constant 0 : i32
        %dma_start3A_351 = tpu.memref_slice %arg6[%dma_start3A_349, %dma_start3A_350] : memref<640x64xf32, #tpu.memory_space<vmem>> -> memref<128x64xf32, #tpu.memory_space<vmem>>
        %dma_start3A_352 = arith.constant 0 : i32
        %dma_start3A_353 = tpu.memref_slice %arg5[%add3A_322, %dma_start3A_352] : memref<200x128xi32, #tpu.memory_space<vmem>> -> memref<1x128xi32, #tpu.memory_space<vmem>>
        %dma_start3A_354 = tpu.memref_squeeze %dma_start3A_353 : memref<1x128xi32, #tpu.memory_space<vmem>> -> memref<128xi32, #tpu.memory_space<vmem>>
        %dma_start3A_355 = arith.constant 0 : i32
        %dma_start3A_356 = arith.constant 0 : i32
        %dma_start3A_357 = tpu.memref_slice %arg2[%dma_start3A_355, %dma_start3A_356] : memref<2000000x64xf32, #tpu.memory_space<hbm>> -> memref<2000000x64xf32, #tpu.memory_space<hbm>>
        tpu.enqueue_indirect_dma source(%dma_start3A_357 : memref<2000000x64xf32, #tpu.memory_space<hbm>>) target(%dma_start3A_351 : memref<128x64xf32, #tpu.memory_space<vmem>>) offsets(%dma_start3A_354 : memref<128xi32, #tpu.memory_space<vmem>>) semaphore(%arg8 : memref<!tpu.dma_semaphore, #tpu.memory_space<semaphore_mem>>)
        %dma_start3A_358 = arith.constant 384 : i32
        %dma_start3A_359 = arith.constant 0 : i32
        %dma_start3A_360 = tpu.memref_slice %arg6[%dma_start3A_358, %dma_start3A_359] : memref<640x64xf32, #tpu.memory_space<vmem>> -> memref<128x64xf32, #tpu.memory_space<vmem>>
        %dma_start3A_361 = arith.constant 0 : i32
        %dma_start3A_362 = tpu.memref_slice %arg5[%add3A_326, %dma_start3A_361] : memref<200x128xi32, #tpu.memory_space<vmem>> -> memref<1x128xi32, #tpu.memory_space<vmem>>
        %dma_start3A_363 = tpu.memref_squeeze %dma_start3A_362 : memref<1x128xi32, #tpu.memory_space<vmem>> -> memref<128xi32, #tpu.memory_space<vmem>>
        %dma_start3A_364 = arith.constant 0 : i32
        %dma_start3A_365 = arith.constant 0 : i32
        %dma_start3A_366 = tpu.memref_slice %arg2[%dma_start3A_364, %dma_start3A_365] : memref<2000000x64xf32, #tpu.memory_space<hbm>> -> memref<2000000x64xf32, #tpu.memory_space<hbm>>
        tpu.enqueue_indirect_dma source(%dma_start3A_366 : memref<2000000x64xf32, #tpu.memory_space<hbm>>) target(%dma_start3A_360 : memref<128x64xf32, #tpu.memory_space<vmem>>) offsets(%dma_start3A_363 : memref<128xi32, #tpu.memory_space<vmem>>) semaphore(%arg8 : memref<!tpu.dma_semaphore, #tpu.memory_space<semaphore_mem>>)
        %dma_start3A_367 = arith.constant 512 : i32
        %dma_start3A_368 = arith.constant 0 : i32
        %dma_start3A_369 = tpu.memref_slice %arg6[%dma_start3A_367, %dma_start3A_368] : memref<640x64xf32, #tpu.memory_space<vmem>> -> memref<128x64xf32, #tpu.memory_space<vmem>>
        %dma_start3A_370 = arith.constant 0 : i32
        %dma_start3A_371 = tpu.memref_slice %arg5[%add3A_330, %dma_start3A_370] : memref<200x128xi32, #tpu.memory_space<vmem>> -> memref<1x128xi32, #tpu.memory_space<vmem>>
        %dma_start3A_372 = tpu.memref_squeeze %dma_start3A_371 : memref<1x128xi32, #tpu.memory_space<vmem>> -> memref<128xi32, #tpu.memory_space<vmem>>
        %dma_start3A_373 = arith.constant 0 : i32
        %dma_start3A_374 = arith.constant 0 : i32
        %dma_start3A_375 = tpu.memref_slice %arg2[%dma_start3A_373, %dma_start3A_374] : memref<2000000x64xf32, #tpu.memory_space<hbm>> -> memref<2000000x64xf32, #tpu.memory_space<hbm>>
        tpu.enqueue_indirect_dma source(%dma_start3A_375 : memref<2000000x64xf32, #tpu.memory_space<hbm>>) target(%dma_start3A_369 : memref<128x64xf32, #tpu.memory_space<vmem>>) offsets(%dma_start3A_372 : memref<128xi32, #tpu.memory_space<vmem>>) semaphore(%arg8 : memref<!tpu.dma_semaphore, #tpu.memory_space<semaphore_mem>>)
      } else {
      }
      %scan3A_289 = arith.constant 0 : i32
      %scan3A_290 = arith.constant 0 : i32
      %scan3A_291 = arith.constant 40 : i32
      %scan3A_292 = arith.addi %scan3A_290, %scan3A_291 : i32
      %scan3A_293 = arith.constant 1 : i32
      scf.for %scan3A_302 = %scan3A_290 to %scan3A_292 step %scan3A_293  : i32 {
        %mul3A_303 = arith.constant 5 : i32
        %mul3A_304 = arith.muli %add3A_72, %mul3A_303 : i32
        %jit3A = arith.constant 8 : i32
        %div3A = arith.divsi %scan3A_302, %jit3A : i32
        %sign3A = arith.constant 0 : i32
        %sign3A_305 = arith.cmpi sgt, %scan3A_302, %sign3A : i32
        %sign3A_306 = arith.extui %sign3A_305 : i1 to i32
        %sign3A_307 = arith.constant 0 : i32
        %sign3A_308 = arith.cmpi slt, %scan3A_302, %sign3A_307 : i32
        %sign3A_309 = arith.extui %sign3A_308 : i1 to i32
        %sign3A_310 = arith.subi %sign3A_306, %sign3A_309 : i32
        %sign3A_311 = arith.constant 0 : i32
        %sign3A_312 = arith.cmpi sgt, %jit3A, %sign3A_311 : i32
        %sign3A_313 = arith.extui %sign3A_312 : i1 to i32
        %sign3A_314 = arith.constant 0 : i32
        %sign3A_315 = arith.cmpi slt, %jit3A, %sign3A_314 : i32
        %sign3A_316 = arith.extui %sign3A_315 : i1 to i32
        %sign3A_317 = arith.subi %sign3A_313, %sign3A_316 : i32
        %ne3A = arith.cmpi ne, %sign3A_310, %sign3A_317 : i32
        %rem3A = arith.remsi %scan3A_302, %jit3A : i32
        %ne3A_318 = arith.constant 0 : i32
        %ne3A_319 = arith.cmpi ne, %rem3A, %ne3A_318 : i32
        %and3A = arith.andi %ne3A, %ne3A_319 : i1
        %sub3A = arith.constant 1 : i32
        %sub3A_320 = arith.subi %div3A, %sub3A : i32
        %select_n3A = arith.select %and3A, %sub3A_320, %div3A : i32
        %add3A_321 = arith.addi %mul3A_304, %select_n3A : i32
        %jit3A_322 = arith.constant 8 : i32
        %eq3A = arith.constant 0 : i32
        %eq3A_323 = arith.cmpi eq, %jit3A_322, %eq3A : i32
        %jit3A_324 = arith.constant 1 : i32
        %select_n3A_325 = arith.select %eq3A_323, %jit3A_324, %jit3A_322 : i32
        %rem3A_326 = arith.remsi %scan3A_302, %select_n3A_325 : i32
        %ne3A_327 = arith.constant 0 : i32
        %ne3A_328 = arith.cmpi ne, %rem3A_326, %ne3A_327 : i32
        %lt3A_329 = arith.constant 0 : i32
        %lt3A_330 = arith.cmpi slt, %rem3A_326, %lt3A_329 : i32
        %lt3A_331 = arith.constant 0 : i32
        %lt3A_332 = arith.cmpi slt, %select_n3A_325, %lt3A_331 : i32
        %ne3A_333 = arith.xori %lt3A_330, %lt3A_332 : i1
        %and3A_334 = arith.andi %ne3A_333, %ne3A_328 : i1
        %add3A_335 = arith.addi %rem3A_326, %select_n3A_325 : i32
        %select_n3A_336 = arith.select %and3A_334, %add3A_335, %rem3A_326 : i32
        %mul3A_337 = arith.constant 16 : i32
        %mul3A_338 = arith.muli %select_n3A_336, %mul3A_337 : i32
        %get3A = arith.index_cast %add3A_321 : i32 to index
        %get3A_339 = arith.index_cast %mul3A_338 : i32 to index
        %get3A_340 = tpu.vector_load %arg5[%get3A, %get3A_339] {strides = array<i32>} : memref<200x128xi32, #tpu.memory_space<vmem>>, vector<16xi32>,
        %eq3A_341 = arith.constant 0 : i32
        %eq3A_342 = vector.broadcast %eq3A_341 : i32 to vector<16xi32>
        %eq3A_343 = arith.cmpi eq, %get3A_340, %eq3A_342 : vector<16xi32>
        %convert_element_type3A_344 = arith.extui %eq3A_343 : vector<16xi1> to vector<16xi32>
        %reduce_max3A = arith.constant true
        %reduce_max3A_345 = vector.broadcast %reduce_max3A : i1 to vector<16xi1>
        %reduce_max3A_346 = arith.constant -2147483648 : i32
        %reduce_max3A_347 = vector.broadcast %reduce_max3A_346 : i32 to vector<16xi32>
        %reduce_max3A_348 = arith.xori %convert_element_type3A_344, %reduce_max3A_347 : vector<16xi32>
        %reduce_max3A_349 = tpu.scan <max>, %reduce_max3A_348 masked %reduce_max3A_345 : vector<16xi32>, vector<16xi1> -> vector<16xi32>
        %reduce_max3A_350 = arith.xori %reduce_max3A_349, %reduce_max3A_347 : vector<16xi32>
        %reduce_max3A_351 = vector.extract %reduce_max3A_350[15] : i32 from vector<16xi32>
        %gt3A_352 = arith.constant 0 : i32
        %gt3A_353 = arith.cmpi sgt, %reduce_max3A_351, %gt3A_352 : i32
        %convert_element_type3A_354 = arith.extui %gt3A_353 : i1 to i32
        %cond3A_355 = arith.constant 0 : i32
        %cond3A_356 = arith.cmpi ne, %convert_element_type3A_354, %cond3A_355 : i32
        scf.if %cond3A_356 {
          %mul3A_357 = arith.constant 16 : i32
          %mul3A_358 = arith.muli %scan3A_302, %mul3A_357 : i32
          %iota3A = tpu.iota {dimensions = array<i32: 0>} : vector<16xi32>
          %add3A_359 = vector.broadcast %mul3A_358 : i32 to vector<16xi32>
          %add3A_360 = arith.addi %add3A_359, %iota3A : vector<16xi32>
          %broadcast_in_dim3A = arith.constant 0.000000e+00 : f32
          %broadcast_in_dim3A_361 = vector.broadcast %broadcast_in_dim3A : f32 to vector<16xf32>
          %scan3A_362 = arith.constant 0 : i32
          %scan3A_363 = arith.constant 0 : i32
          %scan3A_364 = arith.constant 64 : i32
          %scan3A_365 = arith.addi %scan3A_363, %scan3A_364 : i32
          %scan3A_366 = arith.constant 1 : i32
          scf.for %scan3A_368 = %scan3A_363 to %scan3A_365 step %scan3A_366  : i32 {
            %broadcast_in_dim3A_369 = vector.broadcast %scan3A_368 : i32 to vector<16xi32>
            tpu.vector_store_idx %arg7[%add3A_360, %broadcast_in_dim3A_369], %broadcast_in_dim3A_361 masked %eq3A_343 : memref<640x64xf32, #tpu.memory_space<vmem>>[vector<16xi32>, vector<16xi32>], vector<16xf32>, vector<16xi1>
          }
          %scan3A_367 = arith.constant 64 : i32
        } else {
        }
      }
      %scan3A_294 = arith.constant 40 : i32
      %mul3A_295 = arith.constant 640 : i32
      %mul3A_296 = arith.muli %add3A_72, %mul3A_295 : i32
      %add3A_297 = arith.addi %mul3A_2, %mul3A_296 : i32
      %dma_start3A_298 = arith.constant 0 : i32
      %dma_start3A_299 = tpu.memref_slice %arg4[%add3A_297, %dma_start3A_298] : memref<819200x128xf32, #tpu.memory_space<hbm>> -> memref<640x64xf32, #tpu.memory_space<hbm>>
      %dma_start3A_300 = arith.constant 0 : i32
      %dma_start3A_301 = tpu.memref_slice %arg4[%add3A_297, %dma_start3A_300] : memref<819200x128xf32, #tpu.memory_space<hbm>> -> memref<640x64xf32, #tpu.memory_space<hbm>>
      tpu.enqueue_dma source(%arg7 : memref<640x64xf32, #tpu.memory_space<vmem>>) target(%dma_start3A_301 : memref<640x64xf32, #tpu.memory_space<hbm>>) target_semaphore(%arg11 : memref<!tpu.dma_semaphore, #tpu.memory_space<semaphore_mem>>)
    }
    %scan3A_56 = arith.constant 20 : i32
    %add3A_57 = arith.constant 24320 : i32
    %add3A_58 = arith.addi %mul3A_2, %add3A_57 : i32
    %dma_wait3A = arith.constant 0 : i32
    %dma_wait3A_59 = tpu.memref_slice %arg4[%add3A_58, %dma_wait3A] : memref<819200x128xf32, #tpu.memory_space<hbm>> -> memref<640x64xf32, #tpu.memory_space<hbm>>
    %dma_wait3A_60 = arith.constant 0 : i32
    %dma_wait3A_61 = tpu.memref_slice %arg4[%add3A_58, %dma_wait3A_60] : memref<819200x128xf32, #tpu.memory_space<hbm>> -> memref<640x64xf32, #tpu.memory_space<hbm>>
    tpu.wait_dma2 semaphore(%arg10 : memref<!tpu.dma_semaphore, #tpu.memory_space<semaphore_mem>>) src(%arg6 : memref<640x64xf32, #tpu.memory_space<vmem>>) dst(%dma_wait3A_61 : memref<640x64xf32, #tpu.memory_space<hbm>>)
    %add3A_62 = arith.constant 24960 : i32
    %add3A_63 = arith.addi %mul3A_2, %add3A_62 : i32
    %dma_wait3A_64 = arith.constant 0 : i32
    %dma_wait3A_65 = tpu.memref_slice %arg4[%add3A_63, %dma_wait3A_64] : memref<819200x128xf32, #tpu.memory_space<hbm>> -> memref<640x64xf32, #tpu.memory_space<hbm>>
    %dma_wait3A_66 = arith.constant 0 : i32
    %dma_wait3A_67 = tpu.memref_slice %arg4[%add3A_63, %dma_wait3A_66] : memref<819200x128xf32, #tpu.memory_space<hbm>> -> memref<640x64xf32, #tpu.memory_space<hbm>>
    tpu.wait_dma2 semaphore(%arg11 : memref<!tpu.dma_semaphore, #tpu.memory_space<semaphore_mem>>) src(%arg7 : memref<640x64xf32, #tpu.memory_space<vmem>>) dst(%dma_wait3A_67 : memref<640x64xf32, #tpu.memory_space<hbm>>)
    return
  }
}

</mosaic_0001>

<sc_bundles>
// kernel: kernel.3.cloned.1.call-start
scs
__scs_entry_jumppad:
0x0: {  	(pc) =	sbr.rel $0x88, $3  }
0x1: {  	(tag) =	ssettag $0x0;
	lr =	simm.s32 $0x1  }
0x2: {  	[smem:$0x3F9F] =	sst lr;
	_ =	strace $0xD0000000  }
0x3: {  	_ = 	snop  }
0x4: {  	_ = 	snop  }
0x5: {  	_ = 	snop  }
0x6: {  	_ = 	snop  }
0x7: {  	_ = 	snop  }
__scs_overlays_trampoline_lowered:
0x8: {  	[smem:$0x3FAE] =	sst s0  }
0x9: {  	[smem:$0x3FAF] =	sst s1  }
0xa: {  	[smem:$0x3FB0] =	sst s2  }
0xb: {  	[smem:$0x3FB1] =	sst s3  }
0xc: {  	[smem:$0x3FB2] =	sst s4  }
0xd: {  	[smem:$0x3FB3] =	sst s5  }
0xe: {  	[smem:$0x3FB4] =	sst s6  }
0xf: {  	[smem:$0x3FB5] =	sst s7  }
0x10: {  	[smem:$0x3FB6] =	sst s8  }
0x11: {  	[smem:$0x3FB7] =	sst s9;
	s0 =	simm.s32 @!p0 $0x0  }
0x12: {  	s1 =	sld [smem:$0x3F9D];
	s0 =	simm.s32 @p0 $0x1  }
0x13: {  	[smem:$0x3FB8] =	sst s0;
	s0 =	simm.s32 @!p1 $0x0  }
0x14: {  	s2 =	sld [smem:$0x3F9C];
	s0 =	simm.s32 @p1 $0x1  }
0x15: {  	[smem:$0x3FB9] =	sst s0;
	s0 =	simm.s32 @!p2 $0x0  }
0x16: {  	s3 =	sld [smem:$0x3FDB];
	s0 =	simm.s32 @p2 $0x1  }
0x17: {  	s4 =	simm.s32 $0x1BF5;
	[smem:$0x3FBB] =	sst s0  }
0x18: {  	s0 =	sld [smem:$0x3F9E];
	_ =	swait.ge [sflag:s4], $0x0  }
0x19: {  	s7 =	sld [smem:$0x3F9F]  }
0x1a: {  	s8 =	sadd.s32 $0xFFFFE003, lr  }
0x1b: {  	s9 =	sadd.s32 $0xFFFFFEF7, lr;
	s5 =	simm.s32 $0xFFFFFFFF;
	p2 =	slt.u32 s8, $0xFFFFF086  }
0x1c: {  	p1 =	slt.u32 s9, $0xF7A;
	s5 =	simm.s32 @!p2 $0x0  }
0x1d: {  	s5 =	simm.s32 @p1 $0x1;
	p0 =	seq.s32 s7, s2  }
0x1e: {  	s7 =	smul.u32 @!p0 $0xF7A, s2;
	p2 =	seq.s32 @!p0 s5, $0x0  }
0x1f: {  	s9 =	smul.u32 $0xF7A, s1;
	s8 =	simm.s32 @!p0 $0x1BF5;
	p2 =	por !p2, p0  }
0x20: {  	[sflag:s8] =	ssyncset.s32 @!p0 $0xFFFFF086;
	s6 =	sadd.s32 @!p0 s3, s7;
	s7 =	simm.s32 @!p0 $0x108  }
0x21: {  	s3 =	sadd.s32 s3, s9;
	s6 =	sadd.s32 @!p0 $0x88, s6;
	s7 =	simm.s32 @p2 $0x1082  }
0x22: {  	[simem:s7], [sflag:s8] =	dma.local @!p0 [hbm:s6], $0xF7A  }
0x23: {  	s9 =	sor.u32 $0xD0000000, s2;
	s6 =	simm.s32 $0x108;
	_ =	swait.ge @!p0 [sflag:s8], $0x0  }
0x24: {  	s3 =	sadd.s32 $0x88, s3;
	s6 =	simm.s32 @!p1 $0x1082;
	[sflag:s4] =	ssyncset.s32 $0xFFFFF086  }
0x25: {  	[simem:s6], [sflag:s4] =	dma.local [hbm:s3], $0xF7A  }
0x26: {  	[smem:$0x3F9F] =	sst s1;
	(tag) =	ssettag s2;
	_ =	strace s9  }
0x27: {  	s1 =	sld [smem:$0x3FAF]  }
0x28: {  	s2 =	sld [smem:$0x3FB0]  }
0x29: {  	s4 =	sld [smem:$0x3FB2]  }
0x2a: {  	p0 =	seq.s32 s5, $0x0;
	s5 =	sld [smem:$0x3FB3]  }
0x2b: {  	s6 =	sld [smem:$0x3FB4]  }
0x2c: {  	s7 =	sld [smem:$0x3FB5]  }
0x2d: {  	s3 =	simm.s32 $0x108;
	s8 =	sld [smem:$0x3FB6]  }
0x2e: {  	s3 =	simm.s32 @!p0 $0x1082;
	s9 =	sld [smem:$0x3FB7]  }
0x2f: {  	lr =	sadd.s32 s0, s3;
	s0 =	sld [smem:$0x3FAE]  }
0x30: {  	s3 =	sld [smem:$0x3FB1]  }
0x31: {  	[smem:$0x3FBA] =	sst s10  }
0x32: {  	s10 =	sld [smem:$0x3FB8];
	_ =	sdelay $0x3  }
0x33: {  	p0 =	seq.s32 s10, $0x1;
	s10 =	sld [smem:$0x3FBA];
	_ =	sdelay $0x3  }
0x34: {  	[smem:$0x3FBA] =	sst s10  }
0x35: {  	s10 =	sld [smem:$0x3FB9];
	_ =	sdelay $0x3  }
0x36: {  	p1 =	seq.s32 s10, $0x1;
	s10 =	sld [smem:$0x3FBA];
	_ =	sdelay $0x3  }
0x37: {  	[smem:$0x3FBA] =	sst s10  }
0x38: {  	s10 =	sld [smem:$0x3FBB]  }
0x39: {  	_ = 	snop;
	(pc) =	sbr.ind lr, $3  }
0x3a: {  	_ = 	snop  }
0x3b: {  	_ = 	snop  }
0x3c: {  	p2 =	seq.s32 s10, $0x1;
	s10 =	sld [smem:$0x3FBA]  }
0x3d: {  	_ =	shalt  }
0x3e: {  	_ =	shalt  }
0x3f: {  	_ =	shalt  }
0x40: {  	_ =	shalt  }
0x41: {  	_ =	shalt  }
0x42: {  	_ =	shalt  }
0x43: {  	_ =	shalt  }
0x44: {  	_ =	shalt  }
0x45: {  	_ =	shalt  }
0x46: {  	_ =	shalt  }
0x47: {  	_ =	shalt  }
0x48: {  	_ =	shalt  }
0x49: {  	_ =	shalt  }
0x4a: {  	_ =	shalt  }
0x4b: {  	_ =	shalt  }
0x4c: {  	_ =	shalt  }
0x4d: {  	_ =	shalt  }
0x4e: {  	_ =	shalt  }
0x4f: {  	_ =	shalt  }
0x50: {  	_ =	shalt  }
0x51: {  	_ =	shalt  }
0x52: {  	_ =	shalt  }
0x53: {  	_ =	shalt  }
0x54: {  	_ =	shalt  }
0x55: {  	_ =	shalt  }
0x56: {  	_ =	shalt  }
0x57: {  	_ =	shalt  }
0x58: {  	_ =	shalt  }
0x59: {  	_ =	shalt  }
0x5a: {  	_ =	shalt  }
0x5b: {  	_ =	shalt  }
0x5c: {  	_ =	shalt  }
0x5d: {  	_ =	shalt  }
0x5e: {  	_ =	shalt  }
0x5f: {  	_ =	shalt  }
0x60: {  	_ =	shalt  }
0x61: {  	_ =	shalt  }
0x62: {  	_ =	shalt  }
0x63: {  	_ =	shalt  }
0x64: {  	_ =	shalt  }
0x65: {  	_ =	shalt  }
0x66: {  	_ =	shalt  }
0x67: {  	_ =	shalt  }
0x68: {  	_ =	shalt  }
0x69: {  	_ =	shalt  }
0x6a: {  	_ =	shalt  }
0x6b: {  	_ =	shalt  }
0x6c: {  	_ =	shalt  }
0x6d: {  	_ =	shalt  }
0x6e: {  	_ =	shalt  }
0x6f: {  	_ =	shalt  }
0x70: {  	_ =	shalt  }
0x71: {  	_ =	shalt  }
0x72: {  	_ =	shalt  }
0x73: {  	_ =	shalt  }
0x74: {  	_ =	shalt  }
0x75: {  	_ =	shalt  }
0x76: {  	_ =	shalt  }
0x77: {  	_ =	shalt  }
0x78: {  	_ =	shalt  }
0x79: {  	_ =	shalt  }
0x7a: {  	_ =	shalt  }
0x7b: {  	_ =	shalt  }
0x7c: {  	_ =	shalt  }
0x7d: {  	_ =	shalt  }
0x7e: {  	_ =	shalt  }
0x7f: {  	_ =	shalt  }
0x80: {  	_ =	shalt  }
0x81: {  	_ =	shalt  }
0x82: {  	_ =	shalt  }
0x83: {  	_ =	shalt  }
0x84: {  	_ =	shalt  }
0x85: {  	_ =	shalt  }
0x86: {  	_ =	shalt  }
0x87: {  	_ =	shalt  }
.Lfunc_end0:
.L_simem_size_0:
called_computation.2_lowered:
.L_overlay_start_0:
0x88: {  	s2 =	sld [smem:$0x3FD9]  }
0x89: {  	s3 =	sld [smem:$0x3FFE];
	_ =	sdelay $0x1  }
0x8a: {  	s1 =	srdreg.scid  }
0x8b: {  	s0 =	sand.u32 $0x1, s1  }
0x8c: {  	s17 =	sshll.u32 s0, $0xA;
	s2 =	sadd.s32 s3, s2  }
0x8d: {  	s2 =	sadd.s32 s2, s17  }
0x8e: {  	[smem:$0x3FC6] =	sst s2  }
0x8f: {  	_ = 	snop  }
0x90: {  	s2 =	sld [smem:$0x3FD0];
	(tm) =	ssettm $0x1  }
0x91: {  	s18 =	sld [smem:$0x3FFB];
	_ =	sdelay $0x3  }
0x92: {  	_ =	strace s18  }
0x93: {  	s3 =	sld [smem:$0x3FFC];
	_ =	sdelay $0x3  }
0x94: {  	_ =	strace s3  }
0x95: {  	s3 =	sld [smem:$0x3FFD];
	_ =	sdelay $0x3  }
0x96: {  	_ =	strace s3  }
0x97: {  	_ =	strace $0x8FFFFFFF  }
0x98: {  	s19 =	sld [smem:$0x3FDB];
	_ =	sdelay $0x1  }
0x99: {  	s4 =	simm.s32 $_scs_section_size  }
0x9a: {  	s5 =	simm.s32 $_size__tile_overlayer_lowered;
	s6 =	simm.s32 $_tile_overlayer_lowered  }
0x9b: {  	s22 =	simm.s32 $0x1BFF;
	s21 =	sshll.u32 s6, $0x1;
	s3 =	sadd.s32 s4, s19  }
0x9c: {  	s7 =	simm.s32 $0x0;
	s20 =	sshll.u32 s5, $0x1;
	s5 =	sadd.s32 s21, s3  }
0x9d: {  	[timem:s7], [sflag:s22] =	dma.local [hbm:s5], s20  }
0x9e: {  	_ =	swait.ge [sflag:s22], s20  }
0x9f: {  	s4 =	ssub.s32 $0x0, s20;
	[sflag:s22] =	ssyncset.done $0x0  }
0xa0: {  	[sflag:s22] =	ssyncadd.s32 s4;
	_ =	sdelay $0x1  }
0xa1: {  	s23 =	simm.s32 $0x1B8B  }
0xa2: {  	_ =	swait.ge [sflag:s23], $0x1  }
0xa3: {  	[sflag:s23] =	ssyncset.done $0x0  }
0xa4: {  	s25 =	simm.s32 $0x1B8E;
	s24 =	sld [smem:$0x3FFE];
	[sflag:s23] =	ssyncadd.s32 $0xFFFFFFFF  }
0xa5: {  	s26 =	simm.s32 $execute0_lowered;
	[smem:$0x3FD2] =	sst s25  }
0xa6: {  	s5 =	sshll.u32 s26, $0x1;
	_ =	strace $0x80000049;
	[dreg:$0x1] =	wrdreg $0xFFFFFFFF  }
0xa7: {  	s28 =	simm.s32 $_size_execute0_lowered;
	s3 =	sadd.s32 s3, s5;
	[dreg:$0x0] =	wrdreg $0x0  }
0xa8: {  	s5 =	sshll.u32 s28, $0x1;
	[dreg:$0x2] =	wrdreg s3  }
0xa9: {  	[dreg:$0x3] =	wrdreg s5  }
0xaa: {  	[dreg:$0x4] =	wrdreg $0xC0  }
0xab: {  	_ =	task [dreg:s7], $0x5FFFF  }
0xac: {  	[dreg:$0x1] =	wrdreg $0xFFFFFFFF  }
0xad: {  	[dreg:$0x0] =	wrdreg $0x60  }
0xae: {  	[dreg:$0x2] =	wrdreg s24  }
0xaf: {  	[dreg:$0x3] =	wrdreg s2  }
0xb0: {  	[dreg:$0x4] =	wrdreg $0x9  }
0xb1: {  	_ =	task.clear_ibuf [dreg:s7], $0x5FFFF;
	_ =	strace $0x90000049  }
0xb2: {  	s29 =	simm.s32 $0x9;
	_ =	strace $0x8000004B  }
0xb3: {  	_ =	swait.ge [sflag:s29], $0x1  }
0xb4: {  	[sflag:s29] =	ssyncadd.s32 $0xFFFFFFFF  }
0xb5: {  	_ =	strace $0x9000004B  }
0xb6: {  	_ =	sfence  }
0xb7: {  	s30 =	sld [smem:$0x0];
	_ =	sdelay $0x2  }
0xb8: {  	s31 =	sshll.u32 s1, $0xD;
	s1 =	sshrl.u32 s1, $0x2  }
0xb9: {  	s3 =	sand.u32 $0x4000, s31;
	s1 =	sadd.s32 s1, s30  }
0xba: {  	s0 =	sor.u32 s3, s0;
	s1 =	sshll.u32 s1, $0x11  }
0xbb: {  	s0 =	sor.u32 s1, s0  }
0xbc: {  	s0 =	sadd.s32 $0x8F2B, s0  }
0xbd: {  	[sflag:s0] =	ssyncadd.remote.s32 $0x1  }
0xbe: {  	_ =	sfence.sel $0xFFFF  }
0xbf: {  	[dreg:$0x0] =	wrdreg $0xFFFFFFFF;
	(pc) =	sbr.abs _section_cstart, $3  }
0xc0: {  	[dreg:$0x1] =	wrdreg $0xFFFFFFFF  }
0xc1: {  	_ =	task.clear_ibuf [dreg:s7], $0x2FFFF;
	_ =	strace $0x9FFFFFFF  }
0xc2: {  	(tm) =	ssettm $0x7FFFFFFF  }
0xc3: {  	_ =	shalt  }
tec
execute0_lowered:
.L_overlay_start_1:
0x0: {  	(tag) =	ssettag $0x1  }
0x1: {  	s0 =	rddreg [dreg:$0x0];
	s1 =	srdreg.scid  }
0x2: {  	s2 =	stileid.u32;
	s6 =	rddreg [dreg:$0x1];
	s8 =	simm.s32 $0x5  }
0x3: {  	s9 =	simm.s32 $0x80;
	s10 =	simm.s32 $0x6400;
	s14 =	simm.s32 $0x180  }
0x4: {  	s15 =	simm.s32 $0xC400;
	s16 =	simm.s32 $0x200;
	s17 =	simm.s32 $0xE400  }
0x5: {  	s18 =	simm.s32 $0x1;
	s19 =	simm.s32 $0x10400;
	s20 =	simm.s32 $0x12400  }
0x6: {  	s21 =	simm.s32 $0x14400;
	s22 =	simm.s32 $0x16400;
	s23 =	simm.s32 $0x18400  }
0x7: {  	s24 =	simm.s32 $0x40;
	s25 =	simm.s32 $0x2;
	s26 =	simm.s32 $0x3  }
0x8: {  	s28 =	simm.s32 $0x4;
	s1 =	sand.u32 $0x1, s1;
	s3 =	sshll.u32 s2, $0x1  }
.Ltmp0:
0x9: {  	s29 =	simm.s32 $0x0;
	s3 =	sor.u32 s1, s3;
	(pc) =	sbr.rel .LBB2_1-.Ltmp0, $4  }
0xa: {  	s2 =	simm.s32 $0x0;
	s1 =	ssub.s32 $0x2, s1;
	s3 =	smul.u32 $0x6400, s3  }
0xb: {  	s4 =	sadd.s32 $0xF43200, s0;
	[smem:$0x7FF] =	sst s2;
	s5 =	sshrl.u32 s1, $0x1  }
0xc: {  	v1 =	vlaneseq.u32;
	_ =	strace $0x8000004A;
	s1 =	ssub.s32 s1, s5;
	s7 =	sshrl.u32 s3, $0x3  }
0xd: {  	v0 =	vimm.s32 $0x0;
	v2 =	vimm.f32 $0.0e+00;
	v1 =	vmul.u32 $0x40, v1;
	s5 =	sadd.s32 $0xE00, s0;
	s6 =	sadd.s32 s6, s7;
	s7 =	smax.u32 s1, $0x1  }
.LBB2_15:
0xe: {  	s29 =	sadd.s32 $0x1, s29  }
0xf: {  	_ =	swait.ge [sflag:s26], $0xA000;
	p0 =	sne.s32 s29, s7  }
.Ltmp1:
0x10: {  	[sflag:s26] =	ssyncset.done $0x0;
	(pc) =	sbr.rel @!p0 .LBB2_16-.Ltmp1, $4  }
0x11: {  	[sflag:s26] =	ssyncadd.s32 $0xFFFF6000  }
0x12: {  	_ =	swait.ge [sflag:s28], $0xA000  }
0x13: {  	[sflag:s28] =	ssyncset.done $0x0  }
0x14: {  	[sflag:s28] =	ssyncadd.s32 $0xFFFF6000  }
.LBB2_1:
0x15: {  	[tilespmem:s2], [sflag:$0x5] =	stream.linear.gather [hbm4b:s6+s2], $0x6400, $0x38;
	[tilespmem:$0x1A400] =	vst v63  }
0x16: {  	_ =	swait.ge [sflag:s8], $0x6400  }
0x17: {  	[sflag:s8] =	ssyncset.done $0x0  }
0x18: {  	[sflag:s8] =	ssyncadd.s32 $0xFFFF9C00  }
0x19: {  	[tilespmem:s10], [sflag:$0x1] =	stream.indirect.gather [hbm4b:s4+s9], $0x40, s2, s9, $0xb8;
	[tilespmem:$0x1A400] =	vst v63  }
0x1a: {  	s0 =	simm.s32 $0x8400  }
0x1b: {  	[tilespmem:s0], [sflag:$0x1] =	stream.indirect.gather [hbm4b:s4+s9], $0x40, s9, s9, $0xb8;
	[tilespmem:$0x1A400] =	vst v63  }
0x1c: {  	s30 =	simm.s32 $0x100;
	s1 =	simm.s32 $0xA400  }
0x1d: {  	[tilespmem:s1], [sflag:$0x1] =	stream.indirect.gather [hbm4b:s4+s9], $0x40, s30, s9, $0xb8;
	[tilespmem:$0x1A400] =	vst v63  }
.Ltmp2:
0x1e: {  	_ = 	snop;
	(pc) =	sbr.rel .LBB2_2-.Ltmp2, $4  }
0x1f: {  	_ = 	snop  }
0x20: {  	[tilespmem:s15], [sflag:$0x1] =	stream.indirect.gather [hbm4b:s4+s9], $0x40, s14, s9, $0xb8;
	[tilespmem:$0x1A400] =	vst v63  }
0x21: {  	s31 =	simm.s32 $0x0  }
0x22: {  	[tilespmem:s17], [sflag:$0x1] =	stream.indirect.gather [hbm4b:s4+s9], $0x40, s16, s9, $0xb8;
	[tilespmem:$0x1A400] =	vst v63  }
.LBB2_14:
0x23: {  	s0 =	smul.u32 $0x280, s30  }
0x24: {  	p0 =	sne.s32 s31, $0x14  }
.Ltmp3:
0x25: {  	s0 =	sadd.s32 s3, s0;
	(pc) =	sbr.rel @!p0 .LBB2_15-.Ltmp3, $4  }
0x26: {  	s0 =	sshll.u32 s0, $0x4  }
0x27: {  	s0 =	sand.u32 $0x1FFFF800, s0  }
0x28: {  	s0 =	sadd.s32 s5, s0  }
0x29: {  	[hbm4b:s0+s24] =	stream.strided.scatter [tilespmem:s19], [sflag:$0x4], $0xA000, s9, s24, $0x38;
	[tilespmem:$0x1A400] =	vst v63  }
.LBB2_2:
0x2a: {  	_ =	swait.ge [sflag:s18], $0x2000  }
0x2b: {  	[sflag:s18] =	ssyncset.done $0x0  }
0x2c: {  	[sflag:s18] =	ssyncadd.s32 $0xFFFFE000  }
0x2d: {  	_ =	swait.ge [sflag:s18], $0x2000  }
0x2e: {  	[sflag:s18] =	ssyncset.done $0x0  }
0x2f: {  	[sflag:s18] =	ssyncadd.s32 $0xFFFFE000  }
0x30: {  	_ =	swait.ge [sflag:s18], $0x2000  }
0x31: {  	[sflag:s18] =	ssyncset.done $0x0  }
0x32: {  	[sflag:s18] =	ssyncadd.s32 $0xFFFFE000  }
0x33: {  	_ =	swait.ge [sflag:s18], $0x2000  }
0x34: {  	[sflag:s18] =	ssyncset.done $0x0  }
0x35: {  	[sflag:s18] =	ssyncadd.s32 $0xFFFFE000  }
0x36: {  	_ =	swait.ge [sflag:s18], $0x2000  }
0x37: {  	p0 =	seq.s32 s31, $0x0;
	[sflag:s18] =	ssyncset.done $0x0  }
0x38: {  	s30 =	sshllo.u32 s31, $0x1;
	s0 =	simm.s32 @!p0 $0x4;
	[sflag:s18] =	ssyncadd.s32 $0xFFFFE000  }
0x39: {  	s1 =	smul.u32 $0xA00, s30;
	_ =	swait.ge @!p0 [sflag:s0], $0xA000  }
0x3a: {  	[sflag:s0] =	ssyncset.done @!p0 $0x0  }
0x3b: {  	s11 =	sshra.s32 s1, $0x2;
	[sflag:s0] =	ssyncadd.s32 @!p0 $0xFFFF6000  }
0x3c: {  	[tilespmem:s19], [sflag:$0x2] =	stream.indirect.gather [hbm4b:s4+s9], $0x40, s11, s9, $0xb8;
	[tilespmem:$0x1A400] =	vst v63  }
0x3d: {  	s1 =	sadd.s32 $0x80, s11  }
0x3e: {  	[tilespmem:s20], [sflag:$0x2] =	stream.indirect.gather [hbm4b:s4+s9], $0x40, s1, s9, $0xb8;
	[tilespmem:$0x1A400] =	vst v63  }
0x3f: {  	s12 =	sadd.s32 $0x100, s11  }
0x40: {  	[tilespmem:s21], [sflag:$0x2] =	stream.indirect.gather [hbm4b:s4+s9], $0x40, s12, s9, $0xb8;
	[tilespmem:$0x1A400] =	vst v63  }
.Ltmp4:
0x41: {  	s13 =	sadd.s32 $0x180, s11;
	(pc) =	sbr.rel .LBB2_3-.Ltmp4, $4  }
0x42: {  	[tilespmem:s22], [sflag:$0x2] =	stream.indirect.gather [hbm4b:s4+s9], $0x40, s13, s9, $0xb8;
	[tilespmem:$0x1A400] =	vst v63  }
0x43: {  	s0 =	sadd.s32 $0x200, s11  }
0x44: {  	[tilespmem:s23], [sflag:$0x2] =	stream.indirect.gather [hbm4b:s4+s9], $0x40, s0, s9, $0xb8;
	[tilespmem:$0x1A400] =	vst v63  }
0x45: {  	s1 =	smul.u32 $0xA, s31;
	s0 =	simm.s32 $0x0  }
.LBB2_6:
0x46: {  	_ =	sdelay $0x4  }
0x47: {  	[tilespmem:v4+s10+$0x0] =	vst.idx.msk vm0, v2  }
.LBB2_7:
0x48: {  	s0 =	sadd.s32 $0x1, s0  }
0x49: {  	p0 =	sne.s32 s0, $0x28  }
.Ltmp5:
0x4a: {  	_ = 	snop;
	(pc) =	sbr.rel @!p0 .LBB2_8-.Ltmp5, $1  }
0x4b: {  	_ =	sdelay $0x3  }
.LBB2_3:
0x4c: {  	s11 =	sshrl.u32 s0, $0x3  }
0x4d: {  	s12 =	sadd.s32 s1, s11  }
0x4e: {  	s11 =	sshll.u32 s0, $0x4;
	s12 =	sshll.u32 s12, $0x7  }
0x4f: {  	s13 =	sand.u32 $0x70, s11;
	s12 =	sand.u32 $0x3FFFFF80, s12  }
0x50: {  	s12 =	sor.u32 s13, s12  }
0x51: {  	v3 =	vld [tilespmem:s12+$0x0];
	_ =	sdelay $0x4  }
0x52: {  	vm0 =	veq.s32 v3, $0x0  }
0x53: {  	v3 =	vsel vm0, $0x1, v0  }
0x54: {  	v3 =	vor.u32 $0x80000000, v3  }
0x55: {  	(xrf0) =	vmax.scan.msk.u32 $0xffff, v3;
	_ =	sdelay $0x5  }
0x56: {  	v3, _, _ =	vpop (xrf0)  }
0x57: {  	(v2sf) =	vpush v3, $0xF;
	_ =	sdelay $0xe  }
0x58: {  	s13 =	spop (v2sf)  }
0x59: {  	p0 =	slt.u32 s13, $0x80000001  }
.Ltmp6:
0x5a: {  	_ = 	snop;
	(pc) =	sbr.rel @p0 .LBB2_7-.Ltmp6, $1  }
0x5b: {  	_ =	sdelay $0x3  }
0x5c: {  	s12 =	simm.s32 $0x0  }
0x5d: {  	v3 =	vmov s12  }
0x5e: {  	v4 =	vmov s11;
	v3 =	vand.u32 $0x3F, v3  }
0x5f: {  	v4 =	vshll.u32 v4, $0x6;
	v5 =	vbroadcast v3, $0x0  }
0x60: {  	v3 =	vor.u32 v1, v4  }
0x61: {  	s11 =	simm.s32 $0x1;
	v4 =	vor.u32 v3, v5  }
.LBB2_5:
0x62: {  	p0 =	sne.s32 s11, $0x3F  }
.Ltmp7:
0x63: {  	v5 =	vmov s11;
	s11 =	sadd.s32 $0x1, s11;
	(pc) =	sbr.rel @p0 .LBB2_5-.Ltmp7, $4  }
0x64: {  	v5 =	vand.u32 $0x3F, v5  }
0x65: {  	v5 =	vbroadcast v5, $0x0  }
0x66: {  	[tilespmem:v4+s10+$0x0] =	vst.idx.msk vm0, v2  }
0x67: {  	v4 =	vor.u32 v3, v5  }
.Ltmp8:
0x68: {  	_ = 	snop;
	(pc) =	sbr.rel .LBB2_6-.Ltmp8, $1  }
0x69: {  	_ =	sdelay $0x3  }
.LBB2_8:
0x6a: {  	s0 =	smul.u32 $0x500, s31;
	_ =	sdelay $0x1  }
0x6b: {  	s0 =	sadd.s32 s3, s0  }
0x6c: {  	s0 =	sshll.u32 s0, $0x4  }
0x6d: {  	s0 =	sadd.s32 s5, s0  }
0x6e: {  	[hbm4b:s0+s24] =	stream.strided.scatter [tilespmem:s10], [sflag:$0x3], $0xA000, s9, s24, $0x38;
	[tilespmem:$0x1A400] =	vst v63  }
0x6f: {  	_ =	swait.ge [sflag:s25], $0x2000  }
0x70: {  	[sflag:s25] =	ssyncset.done $0x0  }
0x71: {  	[sflag:s25] =	ssyncadd.s32 $0xFFFFE000  }
0x72: {  	_ =	swait.ge [sflag:s25], $0x2000  }
0x73: {  	[sflag:s25] =	ssyncset.done $0x0  }
0x74: {  	[sflag:s25] =	ssyncadd.s32 $0xFFFFE000  }
0x75: {  	_ =	swait.ge [sflag:s25], $0x2000  }
0x76: {  	[sflag:s25] =	ssyncset.done $0x0  }
0x77: {  	[sflag:s25] =	ssyncadd.s32 $0xFFFFE000  }
0x78: {  	_ =	swait.ge [sflag:s25], $0x2000  }
0x79: {  	[sflag:s25] =	ssyncset.done $0x0  }
0x7a: {  	[sflag:s25] =	ssyncadd.s32 $0xFFFFE000  }
0x7b: {  	_ =	swait.ge [sflag:s25], $0x2000  }
0x7c: {  	p0 =	seq.s32 s31, $0x13;
	[sflag:s25] =	ssyncset.done $0x0  }
0x7d: {  	s0 =	simm.s32 @!p0 $0x3;
	[sflag:s25] =	ssyncadd.s32 $0xFFFFE000  }
0x7e: {  	s1 =	smul.u32 @!p0 $0x1400, s31;
	_ =	swait.ge @!p0 [sflag:s0], $0xA000  }
0x7f: {  	[sflag:s0] =	ssyncset.done @!p0 $0x0  }
0x80: {  	[sflag:s0] =	ssyncadd.s32 @!p0 $0xFFFF6000;
	s0 =	sshra.s32 @!p0 s1, $0x2  }
0x81: {  	s11 =	simm.s32 @!p0 $0x80;
	s12 =	simm.s32 @!p0 $0x6400;
	s1 =	sadd.s32 @!p0 $0x500, s0  }
0x82: {  	[tilespmem:s12], [sflag:$0x1] =	stream.indirect.gather @!p0 [hbm4b:s4+s11], $0x40, s1, s11, $0xb8;
	[tilespmem:$0x1A400] =	vst v63  }
0x83: {  	s1 =	sadd.s32 @!p0 $0x580, s0;
	s12 =	simm.s32 @!p0 $0x8400  }
0x84: {  	[tilespmem:s12], [sflag:$0x1] =	stream.indirect.gather @!p0 [hbm4b:s4+s11], $0x40, s1, s11, $0xb8;
	[tilespmem:$0x1A400] =	vst v63  }
0x85: {  	s1 =	sadd.s32 @!p0 $0x600, s0;
	s12 =	simm.s32 @!p0 $0xA400  }
0x86: {  	[tilespmem:s12], [sflag:$0x1] =	stream.indirect.gather @!p0 [hbm4b:s4+s11], $0x40, s1, s11, $0xb8;
	[tilespmem:$0x1A400] =	vst v63  }
.Ltmp9:
0x87: {  	s1 =	sadd.s32 @!p0 $0x680, s0;
	s12 =	simm.s32 @!p0 $0xC400;
	(pc) =	sbr.rel .LBB2_9-.Ltmp9, $4  }
0x88: {  	[tilespmem:s12], [sflag:$0x1] =	stream.indirect.gather @!p0 [hbm4b:s4+s11], $0x40, s1, s11, $0xb8;
	[tilespmem:$0x1A400] =	vst v63  }
0x89: {  	s0 =	sadd.s32 @!p0 $0x700, s0;
	s1 =	simm.s32 @!p0 $0xE400  }
0x8a: {  	[tilespmem:s1], [sflag:$0x1] =	stream.indirect.gather @!p0 [hbm4b:s4+s11], $0x40, s0, s11, $0xb8;
	[tilespmem:$0x1A400] =	vst v63  }
0x8b: {  	s31 =	sadd.s32 $0x1, s31;
	s1 =	smul.u32 $0x5, s30;
	s0 =	simm.s32 $0x0  }
.LBB2_12:
0x8c: {  	_ =	sdelay $0x4  }
0x8d: {  	[tilespmem:v4+s19+$0x0] =	vst.idx.msk vm0, v2  }
.LBB2_13:
0x8e: {  	s0 =	sadd.s32 $0x1, s0  }
0x8f: {  	p0 =	sne.s32 s0, $0x28  }
.Ltmp10:
0x90: {  	_ = 	snop;
	(pc) =	sbr.rel @!p0 .LBB2_14-.Ltmp10, $1  }
0x91: {  	_ =	sdelay $0x3  }
.LBB2_9:
0x92: {  	s11 =	sshrl.u32 s0, $0x3  }
0x93: {  	s12 =	sadd.s32 s1, s11  }
0x94: {  	s11 =	sshll.u32 s0, $0x4;
	s12 =	sshll.u32 s12, $0x7  }
0x95: {  	s13 =	sand.u32 $0x70, s11;
	s12 =	sand.u32 $0x3FFFFF80, s12  }
0x96: {  	s12 =	sor.u32 s13, s12  }
0x97: {  	v3 =	vld [tilespmem:s12+$0x0];
	_ =	sdelay $0x4  }
0x98: {  	vm0 =	veq.s32 v3, $0x0  }
0x99: {  	v3 =	vsel vm0, $0x1, v0  }
0x9a: {  	v3 =	vor.u32 $0x80000000, v3  }
0x9b: {  	(xrf0) =	vmax.scan.msk.u32 $0xffff, v3;
	_ =	sdelay $0x5  }
0x9c: {  	v3, _, _ =	vpop (xrf0)  }
0x9d: {  	(v2sf) =	vpush v3, $0xF;
	_ =	sdelay $0xe  }
0x9e: {  	s13 =	spop (v2sf)  }
0x9f: {  	p0 =	slt.u32 s13, $0x80000001  }
.Ltmp11:
0xa0: {  	_ = 	snop;
	(pc) =	sbr.rel @p0 .LBB2_13-.Ltmp11, $1  }
0xa1: {  	_ =	sdelay $0x3  }
0xa2: {  	s12 =	simm.s32 $0x0  }
0xa3: {  	v3 =	vmov s12  }
0xa4: {  	v4 =	vmov s11;
	v3 =	vand.u32 $0x3F, v3  }
0xa5: {  	v4 =	vshll.u32 v4, $0x6;
	v5 =	vbroadcast v3, $0x0  }
0xa6: {  	v3 =	vor.u32 v1, v4  }
0xa7: {  	s11 =	simm.s32 $0x1;
	v4 =	vor.u32 v3, v5  }
.LBB2_11:
0xa8: {  	p0 =	sne.s32 s11, $0x3F  }
.Ltmp12:
0xa9: {  	v5 =	vmov s11;
	s11 =	sadd.s32 $0x1, s11;
	(pc) =	sbr.rel @p0 .LBB2_11-.Ltmp12, $4  }
0xaa: {  	v5 =	vand.u32 $0x3F, v5  }
0xab: {  	v5 =	vbroadcast v5, $0x0  }
0xac: {  	[tilespmem:v4+s19+$0x0] =	vst.idx.msk vm0, v2  }
0xad: {  	v4 =	vor.u32 v3, v5  }
.Ltmp13:
0xae: {  	_ = 	snop;
	(pc) =	sbr.rel .LBB2_12-.Ltmp13, $1  }
0xaf: {  	_ =	sdelay $0x3  }
.LBB2_16:
0xb0: {  	_ =	sfence.sel $0x180000  }
0xb1: {  	[bflag:$0x0] =	sbarrier.arrive $0xFFFF  }
0xb2: {  	_ =	strace $0x9000004A  }
0xb3: {  	s0 =	stileid.u32;
	[bflag:$0x2] =	sbarrier.arrive $0xFFFF  }
0xb4: {  	p0 =	sne.s32 s0, $0x0;
	s0 =	rddreg [dreg:$0x2]  }
0xb5: {  	s0 =	sadd.s32 @!p0 $0x100000, s0  }
0xb6: {  	[sflag:s0] =	ssyncadd.tile.s32 @!p0 $0x1;
	_ =	shalt  }
.Lfunc_end2:
_tile_overlayer_lowered:
.L_overlay_start_2:
0xb7: {  	(tag) =	ssettag $0x2  }
0xb8: {  	s0 =	rddreg [dreg:$0x0];
	s2 =	stileid.u32  }
0xb9: {  	s1 =	rddreg [dreg:$0x1];
	p0 =	sne.s32 s2, $0x0  }
0xba: {  	s3 =	rddreg [dreg:$0x2];
	[bflag:$0x3] =	sbarrier.arrive $0xFFFF;
	s2 =	simm.s32 @!p0 $0x1C05  }
0xbb: {  	[timem:s3], [sflag:s2] =	dma.local @!p0 [hbm:s0], s1  }
0xbc: {  	s0 =	simm.s32 @!p0 $0x5  }
0xbd: {  	_ =	swait.ge @!p0 [sflag:s0], s1  }
0xbe: {  	s1 =	ssub.s32 @!p0 $0x0, s1;
	[sflag:s0] =	ssyncset.done @!p0 $0x0  }
0xbf: {  	[sflag:s0] =	ssyncadd.s32 @!p0 s1  }
0xc0: {  	[bflag:$0x3] =	sbarrier.arrive $0xFFFF  }
0xc1: {  	_ =	shalt  }

// kernel: sparse-core-data-format-call.1.cloned.1.call-start
scs
called_computation.1_lowered:
.L_overlay_start_0:
0x0: {  	s2 =	sld [smem:$0x3FD9]  }
0x1: {  	s3 =	sld [smem:$0x3FFE];
	_ =	sdelay $0x1  }
0x2: {  	s1 =	srdreg.scid  }
0x3: {  	s0 =	sand.u32 $0x1, s1  }
0x4: {  	s18 =	sshll.u32 s0, $0xA;
	s2 =	sadd.s32 s3, s2  }
0x5: {  	s2 =	sadd.s32 s2, s18  }
0x6: {  	[smem:$0x3FC6] =	sst s2  }
0x7: {  	_ = 	snop  }
0x8: {  	s2 =	sld [smem:$0x3FC8];
	(tm) =	ssettm $0x1  }
0x9: {  	s19 =	sld [smem:$0x3FFB];
	_ =	sdelay $0x3  }
0xa: {  	_ =	strace s19  }
0xb: {  	s3 =	sld [smem:$0x3FFC];
	_ =	sdelay $0x3  }
0xc: {  	_ =	strace s3  }
0xd: {  	s3 =	sld [smem:$0x3FFD];
	_ =	sdelay $0x3  }
0xe: {  	_ =	strace s3  }
0xf: {  	_ =	strace $0x8FFFFFFF  }
0x10: {  	s20 =	sld [smem:$0x3FDB];
	_ =	sdelay $0x1  }
0x11: {  	s4 =	simm.s32 $_scs_section_size  }
0x12: {  	s5 =	simm.s32 $_size__tile_overlayer_lowered;
	s6 =	simm.s32 $_tile_overlayer_lowered  }
0x13: {  	s23 =	simm.s32 $0x1BFF;
	s22 =	sshll.u32 s6, $0x1;
	s3 =	sadd.s32 s4, s20  }
0x14: {  	s7 =	simm.s32 $0x0;
	s21 =	sshll.u32 s5, $0x1;
	s5 =	sadd.s32 s22, s3  }
0x15: {  	[timem:s7], [sflag:s23] =	dma.local [hbm:s5], s21  }
0x16: {  	_ =	swait.ge [sflag:s23], s21  }
0x17: {  	s4 =	ssub.s32 $0x0, s21;
	[sflag:s23] =	ssyncset.done $0x0  }
0x18: {  	[sflag:s23] =	ssyncadd.s32 s4;
	_ =	sdelay $0x1  }
0x19: {  	s24 =	simm.s32 $0x1B8B  }
0x1a: {  	_ =	swait.ge [sflag:s24], $0x1  }
0x1b: {  	[sflag:s24] =	ssyncset.done $0x0  }
0x1c: {  	s26 =	simm.s32 $0x1B8E;
	s25 =	sld [smem:$0x3FFE];
	[sflag:s24] =	ssyncadd.s32 $0xFFFFFFFF  }
0x1d: {  	s27 =	simm.s32 $execute0_lowered;
	[smem:$0x3FD2] =	sst s26  }
0x1e: {  	s5 =	sshll.u32 s27, $0x1;
	_ =	strace $0x80000046;
	[dreg:$0x1] =	wrdreg $0xFFFFFFFF  }
0x1f: {  	s28 =	simm.s32 $_size_execute0_lowered;
	s3 =	sadd.s32 s3, s5;
	[dreg:$0x0] =	wrdreg $0x0  }
0x20: {  	s5 =	sshll.u32 s28, $0x1;
	[dreg:$0x2] =	wrdreg s3  }
0x21: {  	[dreg:$0x3] =	wrdreg s5  }
0x22: {  	[dreg:$0x4] =	wrdreg $0xC0  }
0x23: {  	_ =	task [dreg:s7], $0x5FFFF  }
0x24: {  	[dreg:$0x1] =	wrdreg $0xFFFFFFFF  }
0x25: {  	[dreg:$0x0] =	wrdreg $0x60  }
0x26: {  	[dreg:$0x2] =	wrdreg s2  }
0x27: {  	[dreg:$0x3] =	wrdreg s25  }
0x28: {  	[dreg:$0x4] =	wrdreg $0x9  }
0x29: {  	_ =	task.clear_ibuf [dreg:s7], $0x5FFFF;
	_ =	strace $0x90000046  }
0x2a: {  	s29 =	simm.s32 $0x9;
	_ =	strace $0x80000048  }
0x2b: {  	_ =	swait.ge [sflag:s29], $0x1  }
0x2c: {  	[sflag:s29] =	ssyncadd.s32 $0xFFFFFFFF  }
0x2d: {  	_ =	strace $0x90000048  }
0x2e: {  	_ =	sfence  }
0x2f: {  	s30 =	sld [smem:$0x0];
	_ =	sdelay $0x2  }
0x30: {  	s31 =	sshll.u32 s1, $0xD;
	s1 =	sshrl.u32 s1, $0x2  }
0x31: {  	s3 =	sand.u32 $0x4000, s31;
	s1 =	sadd.s32 s1, s30  }
0x32: {  	s0 =	sor.u32 s3, s0;
	s1 =	sshll.u32 s1, $0x11  }
0x33: {  	s0 =	sor.u32 s1, s0  }
0x34: {  	s0 =	sadd.s32 $0x8F2B, s0  }
0x35: {  	[sflag:s0] =	ssyncadd.remote.s32 $0x1  }
0x36: {  	_ =	sfence.sel $0xFFFF  }
0x37: {  	[dreg:$0x0] =	wrdreg $0xFFFFFFFF;
	(pc) =	sbr.abs _section_cstart, $3  }
0x38: {  	[dreg:$0x1] =	wrdreg $0xFFFFFFFF  }
0x39: {  	_ =	task.clear_ibuf [dreg:s7], $0x2FFFF;
	_ =	strace $0x9FFFFFFF  }
0x3a: {  	(tm) =	ssettm $0x7FFFFFFF  }
0x3b: {  	_ =	shalt  }
tec
execute0_lowered:
.L_overlay_start_1:
0x0: {  	(tag) =	ssettag $0x1  }
0x1: {  	s0 =	srdreg.scid;
	s2 =	rddreg [dreg:$0x0]  }
0x2: {  	s5 =	rddreg [dreg:$0x1];
	s1 =	stileid.u32  }
0x3: {  	s4 =	simm.s32 $0x1;
	s6 =	simm.s32 $0x2;
	s15 =	simm.s32 $0x0  }
0x4: {  	p0 =	por $0x0, $0x0;
	s8 =	simm.s32 $0x80;
	s0 =	sshll.u32 s0, $0x4  }
0x5: {  	s14 =	simm.s32 $0x0;
	s9 =	simm.s32 $0x0;
	s3 =	sand.u32 $0x10, s0  }
.Ltmp0:
0x6: {  	s10 =	simm.s32 $0x0;
	s3 =	sor.u32 s1, s3;
	(pc) =	sbr.rel .LBB1_1-.Ltmp0, $4  }
0x7: {  	s0 =	rddreg [dreg:$0x2];
	_ =	strace $0x80000047;
	s3 =	sshll.u32 s3, $0x7  }
0x8: {  	s12 =	simm.s32 $0x0;
	[sflag:s4] =	ssyncpa.u1 $0x0;
	s7 =	ssub.s32 $0xF4200, s3  }
0x9: {  	s13 =	simm.s32 $0x0;
	[sflag:s6] =	ssyncpa.u1 $0x0;
	s6 =	sshrl.u32 s7, $0xC  }
0xa: {  	s5 =	sadd.s32 $0xE00, s5;
	s11 =	smov.u32 s3;
	s7 =	sadd.s32 $0x2, s6  }
.LBB1_5:
0xb: {  	p1 =	slt.u32 s13, $0x2  }
0xc: {  	s17 =	smov.u32 s15;
	p2 =	sgt.s32 @!p1 s15, $0xF41C0;
	s16 =	sshra.s32 @!p1 s15, $0x1F  }
0xd: {  	p3 =	sgt.s32 @!p1 s14, $0x40;
	s18 =	sshra.s32 @!p1 s14, $0x1F;
	p2 =	por !p2, p1  }
0xe: {  	s15 =	sand.u32 @!p1 s16, s15;
	p3 =	por !p3, p1;
	s16 =	smov.u32 s14  }
0xf: {  	s14 =	sand.u32 @!p1 s18, s14;
	s17 =	simm.s32 @p2 $0xF41C0;
	s16 =	simm.s32 @p3 $0x40  }
0x10: {  	s15 =	ssub.s32 @!p1 s17, s15;
	s14 =	ssub.s32 @!p1 s16, s14  }
0x11: {  	s18 =	smov.u32 s12;
	s16 =	sadd.s32 @!p1 $0xFFF0BE40, s15;
	s17 =	sadd.s32 @!p1 $0xFFFFFFC0, s14  }
0x12: {  	s15 =	ssub.s32 @!p1 $0xF4240, s15;
	p2 =	sgt.s32 @!p1 s16, $0x7F;
	p3 =	sgt.s32 @!p1 s17, $0x3F  }
0x13: {  	s14 =	ssub.s32 @!p1 $0x80, s14;
	p2 =	por !p2, p1;
	p3 =	por !p3, p1  }
0x14: {  	s16 =	sadd.s32 $0x1000, s11;
	s15 =	simm.s32 @!p2 $0x0;
	s14 =	simm.s32 @!p3 $0x0  }
0x15: {  	p2 =	sgt.s32 s16, $0xF423F;
	s14 =	smul.u32 @!p1 s14, s15;
	s15 =	sadd.s32 $0x40, s12  }
0x16: {  	s18 =	smov.u32 @p2 s15  }
0x17: {  	s16 =	smov.u32 @p2 s3;
	p2 =	sgt.s32 s18, $0x3F  }
0x18: {  	s18 =	simm.s32 @p2 $0x0;
	p2 =	sne.s32 s13, s7  }
.Ltmp1:
0x19: {  	p0 =	por !p0, !p0;
	s17 =	simm.s32 @!p1 $0x2;
	(pc) =	sbr.rel @!p2 .LBB1_6-.Ltmp1, $4  }
0x1a: {  	s15 =	smov.u32 s9;
	s9 =	smov.u32 s11;
	s14 =	sand.u32 @!p1 $0x3FFFFFFF, s14  }
0x1b: {  	s11 =	smov.u32 s16;
	_ =	swait.ge @!p1 [sflag:s17], s14;
	s19 =	ssub.s32 @!p1 $0x0, s14  }
0x1c: {  	s14 =	smov.u32 s10;
	s13 =	sadd.s32 $0x1, s13;
	[sflag:s17] =	ssyncset.done @!p1 $0x0  }
0x1d: {  	s10 =	smov.u32 s12;
	s12 =	smov.u32 s18;
	[sflag:s17] =	ssyncadd.s32 @!p1 s19  }
.LBB1_1:
0x1e: {  	p1 =	sgt.u32 s13, s6  }
0x1f: {  	s16 =	sshrl.u32 @!p1 s12, $0x3  }
0x20: {  	s17 =	sshll.u32 @!p1 s11, $0x3;
	s16 =	smul.u32 @!p1 $0x7A1400, s16  }
0x21: {  	s18 =	sshll.u32 @!p1 s12, $0x7;
	s17 =	sand.u32 @!p1 $0xFFFFFC00, s17  }
0x22: {  	s16 =	sadd.s32 @!p1 s16, s17;
	s17 =	sand.u32 @!p1 $0x380, s18  }
0x23: {  	s18 =	sand.u32 @!p1 $0x7F, s11;
	s16 =	sor.u32 @!p1 s17, s16  }
0x24: {  	s17 =	sor.u32 @!p1 s18, s16  }
0x25: {  	s18 =	smulhi.u32 @!p1 $0x218D6287, s17;
	_ =	sdelay $0x1  }
0x26: {  	s16 =	smulhi.u32 @!p1 $0x218D6287, s16;
	s18 =	sshrl.u32 @!p1 s18, $0x11  }
0x27: {  	s18 =	smul.u32 @!p1 $0xF4280, s18  }
0x28: {  	s19 =	sxor.u32 @!p1 $0xFFFFFFFF, s13;
	s16 =	sshrl.u32 @!p1 s16, $0x11  }
0x29: {  	s19 =	sshll.u32 @!p1 s19, $0xD;
	s16 =	sand.u32 @!p1 $0x3F, s16;
	s17 =	ssub.s32 @!p1 s17, s18  }
0x2a: {  	s16 =	smul.u32 @!p1 $0x1E850, s16;
	s18 =	sshrl.u32 @!p1 s17, $0x3;
	s17 =	sand.u32 @!p1 $0x7, s17  }
0x2b: {  	s19 =	sand.u32 @!p1 $0x2000, s19;
	s18 =	sadd.s32 @!p1 s2, s18;
	s17 =	sshll.u32 @!p1 s17, $0x12  }
0x2c: {  	s16 =	sadd.s32 @!p1 s16, s18;
	s17 =	sor.u32 @!p1 $0x400, s17;
	s18 =	simm.s32 @!p1 $0x7A1400  }
0x2d: {  	[tilespmem:s19], [sflag:$0x1] =	stream.strided.gather @!p1 [hbm4b:s16+s17], $0x2000, s18, s17, $0x38;
	[tilespmem:$0x8100] =	vst v63  }
0x2e: {  	p1 =	seq.s32 s13, $0x0  }
0x2f: {  	p2 =	sge.u32 @!p1 s13, s7  }
0x30: {  	p1 =	por p1, p2  }
.Ltmp2:
0x31: {  	_ = 	snop;
	(pc) =	sbr.rel @p1 .LBB1_5-.Ltmp2, $1  }
0x32: {  	_ =	sdelay $0x3  }
0x33: {  	s16 =	simm.s32 $0x1  }
0x34: {  	_ =	swait.ge [sflag:s4], $0x2000;
	s16 =	simm.s32 @!p0 $0x0  }
0x35: {  	[sflag:s4] =	ssyncset.done $0x0;
	s17 =	sshll.u32 s16, $0xD  }
0x36: {  	[sflag:s4] =	ssyncadd.s32 $0xFFFFE000;
	s17 =	sor.u32 $0x40, s17  }
0x37: {  	s16 =	smul.u32 $0x8200, s16;
	v0 =	vld [tilespmem:s17+$0x30]  }
0x38: {  	v1 =	vld [tilespmem:s17+$0xFFFFFFD0]  }
0x39: {  	s16 =	sshrl.u32 s16, $0x2;
	v5 =	vld [tilespmem:s17+$0xFFFFFFE0]  }
0x3a: {  	v6 =	vld [tilespmem:s17+$0xFFFFFFF0];
	s19 =	sor.u32 $0x4000, s16  }
0x3b: {  	s31 =	sand.u32 $0x1, s13;
	v4 =	vld [tilespmem:s17+$0x0];
	s18 =	sadd.s32 $0x0, s19  }
0x3c: {  	v3 =	vld [tilespmem:s17+$0x10];
	s16 =	smul.u32 $0x8200, s31;
	[tilespmem:s18+$0x1C70 ss:$0x41] =	vst.msk $0xffff, v0  }
0x3d: {  	v2 =	vld [tilespmem:s17+$0x20];
	[tilespmem:s18+$0x410 ss:$0x41] =	vst.msk $0xffff, v1  }
0x3e: {  	s16 =	sshrl.u32 s16, $0x2;
	v1 =	vld [tilespmem:s17+$0xFFFFFFC0];
	[tilespmem:s18+$0x820 ss:$0x41] =	vst.msk $0xffff, v5;
	s17 =	sadd.s32 $0x80, s17  }
0x3f: {  	s20 =	simm.s32 $0x4;
	s21 =	simm.s32 $0x8;
	s16 =	sor.u32 $0x4000, s16;
	[tilespmem:s18+$0xC30 ss:$0x41] =	vst.msk $0xffff, v6;
	v0 =	vld [tilespmem:s17+$0x30]  }
.LBB1_3:
0x40: {  	p1 =	sne.s32 s21, $0xFC;
	v5 =	vld [tilespmem:s17+$0xFFFFFFD0];
	[tilespmem:s18+$0x1040 ss:$0x41] =	vst.msk $0xffff, v4  }
0x41: {  	v6 =	vld [tilespmem:s17+$0xFFFFFFE0];
	[tilespmem:s18+$0x1450 ss:$0x41] =	vst.msk $0xffff, v3  }
0x42: {  	s22 =	sshra.s32 s20, $0x2;
	s20 =	smov.u32 s21;
	v7 =	vld [tilespmem:s17+$0xFFFFFFF0];
	[tilespmem:s18+$0x1860 ss:$0x41] =	vst.msk $0xffff, v2  }
.Ltmp3:
0x43: {  	v4 =	vld [tilespmem:s17+$0x0];
	[tilespmem:s18+$0x0 ss:$0x41] =	vst.msk $0xffff, v1;
	s18 =	sadd.s32 s22, s19;
	(pc) =	sbr.rel @p1 .LBB1_3-.Ltmp3, $4  }
0x44: {  	v3 =	vld [tilespmem:s17+$0x10];
	[tilespmem:s18+$0x1C70 ss:$0x41] =	vst.msk $0xffff, v0  }
0x45: {  	[tilespmem:s18+$0x410 ss:$0x41] =	vst.msk $0xffff, v5;
	v2 =	vld [tilespmem:s17+$0x20]  }
0x46: {  	v1 =	vld [tilespmem:s17+$0xFFFFFFC0];
	[tilespmem:s18+$0x820 ss:$0x41] =	vst.msk $0xffff, v6;
	s17 =	sadd.s32 $0x80, s17  }
0x47: {  	s21 =	sadd.s32 $0x4, s21;
	v0 =	vld [tilespmem:s17+$0x30];
	[tilespmem:s18+$0xC30 ss:$0x41] =	vst.msk $0xffff, v7  }
0x48: {  	s21 =	sshll.u32 s9, $0x7;
	s22 =	sshll.u32 s10, $0x3;
	s20 =	sshra.s32 s20, $0x2  }
0x49: {  	p1 =	sgt.s32 s9, $0xF41C0;
	s30 =	sshra.s32 s9, $0x1F;
	s25 =	sshra.s32 s10, $0x1F  }
0x4a: {  	v5 =	vld [tilespmem:s17+$0xFFFFFFD0];
	s28 =	sshrl.u32 s10, $0x3;
	s23 =	sand.u32 $0xFFFFFC00, s21;
	s22 =	sand.u32 $0xFFFFFC00, s22  }
0x4b: {  	[tilespmem:s18+$0x1040 ss:$0x41] =	vst.msk $0xffff, v4;
	v58 =	vld [tilespmem:s17+$0xFFFFFFE0];
	s21 =	sand.u32 $0x380, s21;
	s19 =	sadd.s32 s20, s19;
	s22 =	sadd.s32 s22, s23  }
0x4c: {  	v59 =	vld [tilespmem:s17+$0xFFFFFFF0];
	[tilespmem:s18+$0x1450 ss:$0x41] =	vst.msk $0xffff, v3;
	s29 =	sor.u32 s21, s22;
	s21 =	smov.u32 s9;
	s22 =	sand.u32 s30, s9  }
0x4d: {  	v60 =	vld [tilespmem:s17+$0x0];
	[tilespmem:s18+$0x1860 ss:$0x41] =	vst.msk $0xffff, v2;
	s30 =	sand.u32 $0x7, s10;
	s20 =	sshrl.u32 s29, $0x7;
	s21 =	simm.s32 @!p1 $0xF41C0  }
0x4e: {  	v61 =	vld [tilespmem:s17+$0x10];
	[tilespmem:s18+$0x0 ss:$0x41] =	vst.msk $0xffff, v1;
	p1 =	sgt.s32 s10, $0x40;
	s24 =	ssub.s32 s21, s22;
	s21 =	smov.u32 s10  }
0x4f: {  	v62 =	vld [tilespmem:s17+$0x20];
	[tilespmem:s19+$0x1C70 ss:$0x41] =	vst.msk $0xffff, v0;
	s31 =	smulhi.u32 $0x218DEF5, s20;
	s22 =	sand.u32 s25, s10;
	s21 =	simm.s32 @!p1 $0x40  }
0x50: {  	v63 =	vld [tilespmem:s17+$0xFFFFFFC0];
	[tilespmem:s19+$0x410 ss:$0x41] =	vst.msk $0xffff, v5;
	s26 =	sadd.s32 $0xFFF0BE40, s24;
	s17 =	ssub.s32 $0xF4240, s24;
	s21 =	ssub.s32 s21, s22  }
0x51: {  	[tilespmem:s19+$0x820 ss:$0x41] =	vst.msk $0xffff, v58;
	s23 =	sshrl.u32 s31, $0xD;
	p1 =	sgt.s32 s26, $0x7F;
	s27 =	sadd.s32 $0xFFFFFFC0, s21  }
0x52: {  	[tilespmem:s19+$0xC30 ss:$0x41] =	vst.msk $0xffff, v59;
	s23 =	smul.u32 $0xF4240, s23;
	s18 =	ssub.s32 $0x80, s21;
	p2 =	sgt.s32 s27, $0x3F  }
.Ltmp4:
0x53: {  	[tilespmem:s19+$0x1040 ss:$0x41] =	vst.msk $0xffff, v60;
	s17 =	simm.s32 @p1 $0x0;
	s18 =	simm.s32 @p2 $0x0;
	(pc) =	sbr.rel .LBB1_5-.Ltmp4, $4  }
0x54: {  	s29 =	sand.u32 $0xF, s28;
	[tilespmem:s19+$0x1450 ss:$0x41] =	vst.msk $0xffff, v61;
	s20 =	ssub.s32 s20, s23;
	s17 =	smul.u32 s18, s17  }
0x55: {  	[tilespmem:s19+$0x1860 ss:$0x41] =	vst.msk $0xffff, v62;
	s21 =	sshll.u32 s30, $0x12;
	s20 =	sshll.u32 s20, $0x4;
	s18 =	sadd.s32 s5, s29  }
0x56: {  	[tilespmem:s19+$0x0 ss:$0x41] =	vst.msk $0xffff, v63;
	s31 =	sor.u32 $0x40, s21;
	s18 =	sadd.s32 s20, s18;
	s17 =	sand.u32 $0x3FFFFFFF, s17  }
0x57: {  	[hbm4b:s18+s31] =	stream.strided.scatter [tilespmem:s16], [sflag:$0x2], s17, s8, s31, $0x18;
	[tilespmem:$0x8100] =	vst v63  }
.LBB1_6:
0x58: {  	_ =	sfence.sel $0x180000  }
0x59: {  	s2 =	simm.s32 $0x1;
	[bflag:$0x0] =	sbarrier.arrive $0xFFFF  }
0x5a: {  	s31 =	simm.s32 $0x2;
	[sflag:s2] =	ssyncpa.u1 $0x1  }
0x5b: {  	[sflag:s31] =	ssyncpa.u1 $0x1  }
0x5c: {  	p0 =	sne.s32 s1, $0x0;
	_ =	strace $0x90000047  }
0x5d: {  	s0 =	sadd.s32 @!p0 $0x100000, s0;
	[bflag:$0x2] =	sbarrier.arrive $0xFFFF  }
0x5e: {  	[sflag:s0] =	ssyncadd.tile.s32 @!p0 $0x1;
	_ =	shalt  }
.Lfunc_end1:
_tile_overlayer_lowered:
.L_overlay_start_2:
0x5f: {  	(tag) =	ssettag $0x2  }
0x60: {  	s0 =	rddreg [dreg:$0x0];
	s2 =	stileid.u32  }
0x61: {  	s1 =	rddreg [dreg:$0x1];
	p0 =	sne.s32 s2, $0x0  }
0x62: {  	s3 =	rddreg [dreg:$0x2];
	[bflag:$0x3] =	sbarrier.arrive $0xFFFF;
	s2 =	simm.s32 @!p0 $0x1C01  }
0x63: {  	[timem:s3], [sflag:s2] =	dma.local @!p0 [hbm:s0], s1  }
0x64: {  	s0 =	simm.s32 @!p0 $0x1  }
0x65: {  	_ =	swait.ge @!p0 [sflag:s0], s1  }
0x66: {  	s1 =	ssub.s32 @!p0 $0x0, s1;
	[sflag:s0] =	ssyncset.done @!p0 $0x0  }
0x67: {  	[sflag:s0] =	ssyncadd.s32 @!p0 s1  }
0x68: {  	[bflag:$0x3] =	sbarrier.arrive $0xFFFF  }
0x69: {  	_ =	shalt  }

// kernel: sparse-core-data-format-call.cloned.1.call-start
scs
called_computation_lowered:
.L_overlay_start_0:
0x0: {  	s2 =	sld [smem:$0x3FD9]  }
0x1: {  	s3 =	sld [smem:$0x3FFE];
	_ =	sdelay $0x1  }
0x2: {  	s1 =	srdreg.scid  }
0x3: {  	s0 =	sand.u32 $0x1, s1  }
0x4: {  	s18 =	sshll.u32 s0, $0xA;
	s2 =	sadd.s32 s3, s2  }
0x5: {  	s2 =	sadd.s32 s2, s18  }
0x6: {  	[smem:$0x3FC6] =	sst s2  }
0x7: {  	_ = 	snop  }
0x8: {  	s2 =	sld [smem:$0x3FD0];
	(tm) =	ssettm $0x1  }
0x9: {  	s19 =	sld [smem:$0x3FFB];
	_ =	sdelay $0x3  }
0xa: {  	_ =	strace s19  }
0xb: {  	s3 =	sld [smem:$0x3FFC];
	_ =	sdelay $0x3  }
0xc: {  	_ =	strace s3  }
0xd: {  	s3 =	sld [smem:$0x3FFD];
	_ =	sdelay $0x3  }
0xe: {  	_ =	strace s3  }
0xf: {  	_ =	strace $0x8FFFFFFF  }
0x10: {  	s20 =	sld [smem:$0x3FDB];
	_ =	sdelay $0x1  }
0x11: {  	s4 =	simm.s32 $_scs_section_size  }
0x12: {  	s5 =	simm.s32 $_size__tile_overlayer_lowered;
	s6 =	simm.s32 $_tile_overlayer_lowered  }
0x13: {  	s23 =	simm.s32 $0x1BFF;
	s22 =	sshll.u32 s6, $0x1;
	s3 =	sadd.s32 s4, s20  }
0x14: {  	s7 =	simm.s32 $0x0;
	s21 =	sshll.u32 s5, $0x1;
	s5 =	sadd.s32 s22, s3  }
0x15: {  	[timem:s7], [sflag:s23] =	dma.local [hbm:s5], s21  }
0x16: {  	_ =	swait.ge [sflag:s23], s21  }
0x17: {  	s4 =	ssub.s32 $0x0, s21;
	[sflag:s23] =	ssyncset.done $0x0  }
0x18: {  	[sflag:s23] =	ssyncadd.s32 s4;
	_ =	sdelay $0x1  }
0x19: {  	s24 =	simm.s32 $0x1B8B  }
0x1a: {  	_ =	swait.ge [sflag:s24], $0x1  }
0x1b: {  	[sflag:s24] =	ssyncset.done $0x0  }
0x1c: {  	s26 =	simm.s32 $0x1B8E;
	s25 =	sld [smem:$0x3FFE];
	[sflag:s24] =	ssyncadd.s32 $0xFFFFFFFF  }
0x1d: {  	s27 =	simm.s32 $execute0_lowered;
	[smem:$0x3FD2] =	sst s26  }
0x1e: {  	s5 =	sshll.u32 s27, $0x1;
	_ =	strace $0x8000004C;
	[dreg:$0x1] =	wrdreg $0xFFFFFFFF  }
0x1f: {  	s28 =	simm.s32 $_size_execute0_lowered;
	s3 =	sadd.s32 s3, s5;
	[dreg:$0x0] =	wrdreg $0x0  }
0x20: {  	s5 =	sshll.u32 s28, $0x1;
	[dreg:$0x2] =	wrdreg s3  }
0x21: {  	[dreg:$0x3] =	wrdreg s5  }
0x22: {  	[dreg:$0x4] =	wrdreg $0xC0  }
0x23: {  	_ =	task [dreg:s7], $0x5FFFF  }
0x24: {  	[dreg:$0x1] =	wrdreg $0xFFFFFFFF  }
0x25: {  	[dreg:$0x0] =	wrdreg $0x60  }
0x26: {  	[dreg:$0x2] =	wrdreg s25  }
0x27: {  	[dreg:$0x3] =	wrdreg s2  }
0x28: {  	[dreg:$0x4] =	wrdreg $0x9  }
0x29: {  	_ =	task.clear_ibuf [dreg:s7], $0x5FFFF;
	_ =	strace $0x9000004C  }
0x2a: {  	s29 =	simm.s32 $0x9;
	_ =	strace $0x8000004E  }
0x2b: {  	_ =	swait.ge [sflag:s29], $0x1  }
0x2c: {  	[sflag:s29] =	ssyncadd.s32 $0xFFFFFFFF  }
0x2d: {  	_ =	strace $0x9000004E  }
0x2e: {  	_ =	sfence  }
0x2f: {  	s30 =	sld [smem:$0x0];
	_ =	sdelay $0x2  }
0x30: {  	s31 =	sshll.u32 s1, $0xD;
	s1 =	sshrl.u32 s1, $0x2  }
0x31: {  	s3 =	sand.u32 $0x4000, s31;
	s1 =	sadd.s32 s1, s30  }
0x32: {  	s0 =	sor.u32 s3, s0;
	s1 =	sshll.u32 s1, $0x11  }
0x33: {  	s0 =	sor.u32 s1, s0  }
0x34: {  	s0 =	sadd.s32 $0x8F2B, s0  }
0x35: {  	[sflag:s0] =	ssyncadd.remote.s32 $0x1  }
0x36: {  	_ =	sfence.sel $0xFFFF  }
0x37: {  	[dreg:$0x0] =	wrdreg $0xFFFFFFFF;
	(pc) =	sbr.abs _section_cstart, $3  }
0x38: {  	[dreg:$0x1] =	wrdreg $0xFFFFFFFF  }
0x39: {  	_ =	task.clear_ibuf [dreg:s7], $0x2FFFF;
	_ =	strace $0x9FFFFFFF  }
0x3a: {  	(tm) =	ssettm $0x7FFFFFFF  }
0x3b: {  	_ =	shalt  }
tec
execute0_lowered:
.L_overlay_start_1:
0x0: {  	(tag) =	ssettag $0x1  }
0x1: {  	s0 =	srdreg.scid  }
0x2: {  	s1 =	sshll.u32 s0, $0x4  }
0x3: {  	s0 =	stileid.u32;
	s1 =	sand.u32 $0x10, s1  }
0x4: {  	s1 =	sor.u32 s0, s1  }
0x5: {  	s6 =	rddreg [dreg:$0x0];
	s4 =	simm.s32 $0x1;
	s2 =	sshll.u32 s1, $0x7  }
0x6: {  	s7 =	simm.s32 $0x2;
	s12 =	simm.s32 $0x0;
	s1 =	ssub.s32 $0x1000, s2  }
0x7: {  	s8 =	simm.s32 $0x8000;
	s13 =	simm.s32 $0x0;
	s3 =	sand.u32 $0xF80, s1  }
0x8: {  	s9 =	simm.s32 $0x0;
	s5 =	sshrl.u32 s1, $0xC;
	p0 =	sne.s32 s3, $0x0  }
.Ltmp0:
0x9: {  	s1 =	rddreg [dreg:$0x2];
	s4 =	simm.s32 @!p0 $0x0;
	(pc) =	sbr.rel .LBB1_1-.Ltmp0, $4  }
0xa: {  	s11 =	simm.s32 $0x0;
	s3 =	rddreg [dreg:$0x1];
	s5 =	sadd.s32 s4, s5  }
0xb: {  	_ =	strace $0x8000004D;
	s4 =	simm.s32 $0x1;
	s5 =	smul.u32 $0xC8, s5  }
0xc: {  	s6 =	sadd.s32 $0xE00, s6;
	s10 =	smov.u32 s2;
	[sflag:s4] =	ssyncpa.u1 $0x0  }
0xd: {  	p0 =	por $0x0, $0x0;
	[sflag:s7] =	ssyncpa.u1 $0x0;
	s7 =	sor.u32 $0x1, s5  }
.LBB1_4:
0xe: {  	s16 =	sshll.u32 s13, $0x3;
	s17 =	sand.u32 $0x78, s13  }
0xf: {  	s30 =	sand.u32 $0x7E00, s13;
	s12 =	sshll.u32 s12, $0xF;
	s16 =	sand.u32 $0xC00, s16  }
0x10: {  	[tilespmem:s15+$0x810 ss:$0x81] =	vst.msk $0xffff, v2;
	s31 =	sand.u32 $0x7, s13;
	s16 =	sor.u32 s17, s16;
	s17 =	sadd.s32 s3, s30  }
0x11: {  	[tilespmem:s15+$0x1020 ss:$0x81] =	vst.msk $0xffff, v0;
	s13 =	sshll.u32 s31, $0x12;
	s12 =	sadd.s32 s12, s17;
	s16 =	sshrl.u32 s16, $0x3  }
0x12: {  	[tilespmem:s15+$0x0 ss:$0x81] =	vst.msk $0xffff, v1;
	s13 =	sor.u32 $0x400, s13;
	s12 =	sadd.s32 s16, s12  }
0x13: {  	[hbm4b:s12+s13] =	stream.strided.scatter [tilespmem:s14], [sflag:$0x2], $0x2000, s8, s13, $0x20;
	[tilespmem:$0x8080] =	vst v63  }
.LBB1_5:
0x14: {  	s14 =	sadd.s32 $0x1, s9  }
0x15: {  	s12 =	sadd.s32 $0x1000, s10;
	s16 =	smov.u32 s10;
	p2 =	sgt.s32 s14, $0xC7  }
0x16: {  	s16 =	smov.u32 @p2 s12  }
0x17: {  	s14 =	simm.s32 @p2 $0x0;
	p2 =	sgt.s32 s16, $0xFFF  }
0x18: {  	s16 =	smov.u32 @p2 s2;
	p2 =	sne.s32 s11, s7  }
.Ltmp1:
0x19: {  	p1 =	slt.u32 s11, $0x2;
	(pc) =	sbr.rel @!p2 .LBB1_6-.Ltmp1, $4  }
0x1a: {  	s15 =	simm.s32 @!p1 $0x2  }
0x1b: {  	s13 =	smov.u32 s10;
	p0 =	por !p0, !p0;
	_ =	swait.ge @!p1 [sflag:s15], $0x2000  }
0x1c: {  	s12 =	smov.u32 s9;
	[sflag:s15] =	ssyncset.done @!p1 $0x0;
	s9 =	smov.u32 s14  }
0x1d: {  	s11 =	sadd.s32 $0x1, s11;
	[sflag:s15] =	ssyncadd.s32 @!p1 $0xFFFFE000;
	s10 =	smov.u32 s16  }
.LBB1_1:
0x1e: {  	p1 =	sge.u32 s11, s5  }
0x1f: {  	s14 =	sand.u32 @!p1 $0x1FFFFFF, s9  }
0x20: {  	s15 =	smulhi.u32 @!p1 $0x147AE15, s14;
	_ =	sdelay $0x1  }
0x21: {  	s15 =	smul.u32 @!p1 $0xC8, s15  }
0x22: {  	s16 =	sxor.u32 @!p1 $0xFFFFFFFF, s11;
	s17 =	smul.u32 @!p1 $0xC80, s10  }
0x23: {  	s31 =	sadd.s32 $0xFFFFFFFF, s11;
	s16 =	sshll.u32 @!p1 s16, $0xD;
	s14 =	ssub.s32 @!p1 s14, s15  }
0x24: {  	s15 =	sand.u32 @!p1 $0x2000, s16;
	s16 =	sadd.s32 @!p1 s6, s17;
	s14 =	sshll.u32 @!p1 s14, $0x4  }
0x25: {  	s17 =	simm.s32 @!p1 $0x6400;
	s14 =	sadd.s32 @!p1 s14, s16;
	s16 =	simm.s32 @!p1 $0x40  }
0x26: {  	[tilespmem:s15], [sflag:$0x1] =	stream.strided.gather @!p1 [hbm4b:s14+s16], $0x2000, s17, s16, $0x38;
	[tilespmem:$0x8080] =	vst v63  }
0x27: {  	p1 =	sge.u32 s31, s5  }
.Ltmp2:
0x28: {  	_ = 	snop;
	(pc) =	sbr.rel @p1 .LBB1_5-.Ltmp2, $1  }
0x29: {  	_ =	sdelay $0x3  }
0x2a: {  	s14 =	simm.s32 $0x1  }
0x2b: {  	_ =	swait.ge [sflag:s4], $0x2000;
	s14 =	simm.s32 @!p0 $0x0  }
0x2c: {  	[sflag:s4] =	ssyncset.done $0x0;
	s15 =	sshll.u32 s14, $0xD  }
0x2d: {  	[sflag:s4] =	ssyncadd.s32 $0xFFFFE000;
	s18 =	sor.u32 $0x20, s15  }
0x2e: {  	s14 =	smul.u32 $0x8100, s14;
	v3 =	vld [tilespmem:s18+$0x10]  }
0x2f: {  	s30 =	sand.u32 $0x1, s11;
	v2 =	vld [tilespmem:s18+$0xFFFFFFF0]  }
0x30: {  	s15 =	smul.u32 $0x8100, s30;
	s14 =	sshrl.u32 s14, $0x2;
	v0 =	vld [tilespmem:s18+$0x0]  }
0x31: {  	v1 =	vld [tilespmem:s18+$0xFFFFFFE0];
	s16 =	sor.u32 $0x4000, s14  }
0x32: {  	s31 =	sshrl.u32 s15, $0x2;
	s15 =	sadd.s32 $0x0, s16  }
0x33: {  	s17 =	simm.s32 $0x4;
	s18 =	sadd.s32 $0x40, s18;
	s14 =	sor.u32 $0x4000, s31;
	[tilespmem:s15+$0x1830 ss:$0x81] =	vst.msk $0xffff, v3  }
.LBB1_3:
0x34: {  	v3 =	vld [tilespmem:s18+$0x10];
	p1 =	sne.s32 s17, $0x1FC;
	[tilespmem:s15+$0x810 ss:$0x81] =	vst.msk $0xffff, v2;
	s19 =	smov.u32 s17;
	s17 =	sadd.s32 $0x4, s17  }
.Ltmp3:
0x35: {  	v2 =	vld [tilespmem:s18+$0xFFFFFFF0];
	[tilespmem:s15+$0x1020 ss:$0x81] =	vst.msk $0xffff, v0;
	(pc) =	sbr.rel @p1 .LBB1_3-.Ltmp3, $4  }
0x36: {  	v0 =	vld [tilespmem:s18+$0x0];
	[tilespmem:s15+$0x0 ss:$0x81] =	vst.msk $0xffff, v1  }
0x37: {  	s15 =	sshra.s32 s19, $0x2;
	v1 =	vld [tilespmem:s18+$0xFFFFFFE0]  }
0x38: {  	s15 =	sadd.s32 s15, s16  }
0x39: {  	s18 =	sadd.s32 $0x40, s18;
	[tilespmem:s15+$0x1830 ss:$0x81] =	vst.msk $0xffff, v3  }
.Ltmp4:
0x3a: {  	_ = 	snop;
	(pc) =	sbr.rel .LBB1_4-.Ltmp4, $1  }
0x3b: {  	_ =	sdelay $0x3  }
.LBB1_6:
0x3c: {  	_ =	sfence.sel $0x180000  }
0x3d: {  	s2 =	simm.s32 $0x1;
	[bflag:$0x0] =	sbarrier.arrive $0xFFFF  }
0x3e: {  	s31 =	simm.s32 $0x2;
	[sflag:s2] =	ssyncpa.u1 $0x1  }
0x3f: {  	[sflag:s31] =	ssyncpa.u1 $0x1  }
0x40: {  	p0 =	sne.s32 s0, $0x0;
	_ =	strace $0x9000004D  }
0x41: {  	s0 =	sadd.s32 @!p0 $0x100000, s1;
	[bflag:$0x2] =	sbarrier.arrive $0xFFFF  }
0x42: {  	[sflag:s0] =	ssyncadd.tile.s32 @!p0 $0x1;
	_ =	shalt  }
.Lfunc_end1:
_tile_overlayer_lowered:
.L_overlay_start_2:
0x43: {  	(tag) =	ssettag $0x2  }
0x44: {  	s0 =	rddreg [dreg:$0x0];
	s2 =	stileid.u32  }
0x45: {  	s1 =	rddreg [dreg:$0x1];
	p0 =	sne.s32 s2, $0x0  }
0x46: {  	s3 =	rddreg [dreg:$0x2];
	[bflag:$0x3] =	sbarrier.arrive $0xFFFF;
	s2 =	simm.s32 @!p0 $0x1C01  }
0x47: {  	[timem:s3], [sflag:s2] =	dma.local @!p0 [hbm:s0], s1  }
0x48: {  	s0 =	simm.s32 @!p0 $0x1  }
0x49: {  	_ =	swait.ge @!p0 [sflag:s0], s1  }
0x4a: {  	s1 =	ssub.s32 @!p0 $0x0, s1;
	[sflag:s0] =	ssyncset.done @!p0 $0x0  }
0x4b: {  	[sflag:s0] =	ssyncadd.s32 @!p0 s1  }
0x4c: {  	[bflag:$0x3] =	sbarrier.arrive $0xFFFF  }
0x4d: {  	_ =	shalt  }

</sc_bundles>
